<compile_context>
chip_gen: v7x
topology: tpu7x:2x2x1
jax: 0.10.2.dev20260603
libtpu: 0.0.44.dev20260713+nightly
codegen_flags: <defaults>
</compile_context>

<pallas_src>
import functools

import jax
import jax.numpy as jnp
from jax import lax
from jax.experimental import pallas as pl
from jax.experimental.pallas import tpu as pltpu
from jax.experimental.pallas import tpu_sc as plsc

N = 10000
E = 320000
IN = 128
OUT = 128
HEADS = 2
C = OUT // HEADS
MSG_DIM = 16
TIME_DIM = 100
KVW = 256

NC = 2
NS = 16
NW = NC * NS
PER_TILE = E // NW
PER_TILE_1C = E // NS
CHUNK = 128
G_NCH = PER_TILE // CHUNK
G_TAIL = PER_TILE - G_NCH * CHUNK
S_NCH = PER_TILE_1C // CHUNK
S_TAIL = PER_TILE_1C - S_NCH * CHUNK

BE = 2000
BN = 2000


def _tables_body(x_ref, w_ref, b_ref, lu_ref, q_ref, kv_ref, sk_ref):
    acc = jnp.dot(x_ref[...], w_ref[...], preferred_element_type=jnp.float32)
    acc = acc + b_ref[...]
    q_ref[...] = acc[:, 0:128]
    hi_mask = jnp.uint32(0xFFFF0000)
    rne = jnp.uint32(0x7FFF)
    one = jnp.uint32(1)
    kb = jax.lax.bitcast_convert_type(acc[:, 128:256], jnp.uint32)
    vb = jax.lax.bitcast_convert_type(acc[:, 256:384], jnp.uint32)
    kr = (kb + rne + ((kb >> 16) & one)) & hi_mask
    vr = vb + rne + ((vb >> 16) & one)
    packed = kr | (vr >> 16)
    kv_ref[:, 0:128] = jax.lax.bitcast_convert_type(packed, jnp.float32)
    kv_ref[:, 128:129] = lu_ref[...]
    kv_ref[:, 129:KVW] = jnp.zeros((acc.shape[0], KVW - 129), jnp.float32)
    sk_ref[...] = acc[:, 384:512]


def _tables(x, wcat, bcat, lu2d):
    return pl.pallas_call(
        _tables_body,
        grid=(N // BN,),
        in_specs=[
            pl.BlockSpec((BN, IN), lambda i: (i, 0)),
            pl.BlockSpec((IN, 512), lambda i: (0, 0)),
            pl.BlockSpec((1, 512), lambda i: (0, 0)),
            pl.BlockSpec((BN, 1), lambda i: (i, 0)),
        ],
        out_specs=[
            pl.BlockSpec((BN, 128), lambda i: (i, 0)),
            pl.BlockSpec((BN, KVW), lambda i: (i, 0)),
            pl.BlockSpec((BN, 128), lambda i: (i, 0)),
        ],
        out_shape=[
            jax.ShapeDtypeStruct((N, 128), jnp.float32),
            jax.ShapeDtypeStruct((N, KVW), jnp.float32),
            jax.ShapeDtypeStruct((N, 128), jnp.float32),
        ],
    )(x, wcat, bcat, lu2d)


def _gather_body(qt, kvt, src, dst,
                 qd_out, kvs_out,
                 sidx0, didx0, qbuf0, kvbuf0, semg0, semw0,
                 sidx1, didx1, qbuf1, kvbuf1, semg1, semw1,
                 sidxt, didxt, qbuft, kvbuft, semt):
    wid = lax.axis_index("s") * NC + lax.axis_index("c")
    base = wid * PER_TILE
    slots = ((sidx0, didx0, qbuf0, kvbuf0, semg0, semw0),
             (sidx1, didx1, qbuf1, kvbuf1, semg1, semw1))

    def issue(slot, i):
        sidx, didx, qbuf, kvbuf, semg, _ = slot
        off = base + i * CHUNK
        pltpu.sync_copy(src.at[pl.ds(off, CHUNK)], sidx)
        pltpu.sync_copy(dst.at[pl.ds(off, CHUNK)], didx)
        pltpu.async_copy(qt.at[didx], qbuf, semg)
        pltpu.async_copy(kvt.at[sidx], kvbuf, semg)

    def wait_g(slot):
        sidx, didx, qbuf, kvbuf, semg, _ = slot
        pltpu.make_async_copy(qt.at[didx], qbuf, semg).wait()
        pltpu.make_async_copy(kvt.at[sidx], kvbuf, semg).wait()

    def start_w(slot, i):
        _, _, qbuf, kvbuf, _, semw = slot
        off = base + i * CHUNK
        pltpu.async_copy(qbuf, qd_out.at[pl.ds(off, CHUNK)], semw)
        pltpu.async_copy(kvbuf, kvs_out.at[pl.ds(off, CHUNK)], semw)

    def wait_w(slot, i):
        _, _, qbuf, kvbuf, _, semw = slot
        off = base + i * CHUNK
        pltpu.make_async_copy(qbuf, qd_out.at[pl.ds(off, CHUNK)], semw).wait()
        pltpu.make_async_copy(kvbuf, kvs_out.at[pl.ds(off, CHUNK)], semw).wait()

    issue(slots[0], 0)

    def pair(g, carry):
        for b in (0, 1):
            k = g * 2 + b
            slot, oslot = slots[b], slots[1 - b]
            wait_g(slot)
            start_w(slot, k)

            @pl.when(k >= 1)
            def _():
                wait_w(oslot, k - 1)

            @pl.when(k + 1 < G_NCH)
            def _():
                issue(oslot, k + 1)

        return carry

    lax.fori_loop(0, G_NCH // 2, pair, 0)
    wait_w(slots[(G_NCH - 1) % 2], G_NCH - 1)

    off = base + G_NCH * CHUNK
    pltpu.sync_copy(src.at[pl.ds(off, G_TAIL)], sidxt)
    pltpu.sync_copy(dst.at[pl.ds(off, G_TAIL)], didxt)
    pltpu.async_copy(qt.at[didxt], qbuft, semt)
    pltpu.async_copy(kvt.at[sidxt], kvbuft, semt)
    pltpu.make_async_copy(qt.at[didxt], qbuft, semt).wait()
    pltpu.make_async_copy(kvt.at[sidxt], kvbuft, semt).wait()
    pltpu.sync_copy(qbuft, qd_out.at[pl.ds(off, G_TAIL)])
    pltpu.sync_copy(kvbuft, kvs_out.at[pl.ds(off, G_TAIL)])


def _gather(qt, kvt, src, dst):
    mesh = plsc.VectorSubcoreMesh(core_axis_name="c", subcore_axis_name="s")
    slot = [
        pltpu.VMEM((CHUNK,), jnp.int32),
        pltpu.VMEM((CHUNK,), jnp.int32),
        pltpu.VMEM((CHUNK, 128), jnp.float32),
        pltpu.VMEM((CHUNK, KVW), jnp.float32),
        pltpu.SemaphoreType.DMA,
        pltpu.SemaphoreType.DMA,
    ]
    tail = [
        pltpu.VMEM((G_TAIL,), jnp.int32),
        pltpu.VMEM((G_TAIL,), jnp.int32),
        pltpu.VMEM((G_TAIL, 128), jnp.float32),
        pltpu.VMEM((G_TAIL, KVW), jnp.float32),
        pltpu.SemaphoreType.DMA,
    ]
    fn = functools.partial(
        pl.kernel,
        out_type=(
            jax.ShapeDtypeStruct((E, 128), jnp.float32),
            jax.ShapeDtypeStruct((E, KVW), jnp.float32),
        ),
        mesh=mesh,
        scratch_types=slot + slot + tail,
    )(_gather_body)
    return fn(qt, kvt, src, dst)


def _edge_body(qd_ref, kvs_ref, t_ref, msg_ref,
               wtr_ref, btr_ref, wet_ref, wem_ref, shead_ref, bh_ref,
               pay0_ref, pay1_ref):
    kvs = kvs_ref[...]
    pk = jax.lax.bitcast_convert_type(kvs[:, 0:128], jnp.uint32)
    k = jax.lax.bitcast_convert_type(pk & jnp.uint32(0xFFFF0000), jnp.float32)
    v = jax.lax.bitcast_convert_type(pk << 16, jnp.float32)
    rel = kvs[:, 128:129] - t_ref[...]
    enc = jnp.cos(rel * wtr_ref[...] + btr_ref[...])
    e = jnp.dot(enc, wet_ref[...], preferred_element_type=jnp.float32)
    e = e + jnp.dot(msg_ref[...], wem_ref[...], preferred_element_type=jnp.float32)
    k = k + e
    v = v + e
    alpha = jnp.dot(qd_ref[...] * k, shead_ref[...],
                    preferred_element_type=jnp.float32) * 0.125
    ex = jnp.exp(alpha)
    exb = jnp.dot(ex, bh_ref[...], preferred_element_type=jnp.float32)
    pm = exb * v
    zer64 = jnp.zeros((pm.shape[0], 63), jnp.float32)
    pay0_ref[:, 0:64] = pm[:, 0:64]
    pay0_ref[:, 64:65] = ex[:, 0:1]
    pay0_ref[:, 65:128] = zer64
    pay1_ref[:, 0:64] = pm[:, 64:128]
    pay1_ref[:, 64:65] = ex[:, 1:2]
    pay1_ref[:, 65:128] = zer64


def _edges(qd, kvs, tf, msg, wtr, btr, wet, wem, shead, bh):
    return pl.pallas_call(
        _edge_body,
        grid=(E // BE,),
        in_specs=[
            pl.BlockSpec((BE, 128), lambda i: (i, 0)),
            pl.BlockSpec((BE, KVW), lambda i: (i, 0)),
            pl.BlockSpec((BE, 1), lambda i: (i, 0)),
            pl.BlockSpec((BE, MSG_DIM), lambda i: (i, 0)),
            pl.BlockSpec((1, 128), lambda i: (0, 0)),
            pl.BlockSpec((1, 128), lambda i: (0, 0)),
            pl.BlockSpec((128, 128), lambda i: (0, 0)),
            pl.BlockSpec((MSG_DIM, 128), lambda i: (0, 0)),
            pl.BlockSpec((128, HEADS), lambda i: (0, 0)),
            pl.BlockSpec((HEADS, 128), lambda i: (0, 0)),
        ],
        out_specs=[
            pl.BlockSpec((BE, 128), lambda i: (i, 0)),
            pl.BlockSpec((BE, 128), lambda i: (i, 0)),
        ],
        out_shape=[
            jax.ShapeDtypeStruct((E, 128), jnp.float32),
            jax.ShapeDtypeStruct((E, 128), jnp.float32),
        ],
    )(qd, kvs, tf, msg, wtr, btr, wet, wem, shead, bh)


def _scatter_body(pay0, pay1, dst, zer, out0, out1, table,
                  idx0, pbuf0, semp0, idx1, pbuf1, semp1, idxt, pbuft, sempt):
    cid = lax.axis_index("c")
    sid = lax.axis_index("s")
    base = sid * PER_TILE_1C
    slots = ((idx0, pbuf0, semp0), (idx1, pbuf1, semp1))

    @pl.when(sid == 0)
    def _init():
        pltpu.sync_copy(zer, table)

    plsc.subcore_barrier()

    def issue(slot, i):
        idxv, pbuf, semp = slot
        off = base + i * CHUNK
        pltpu.sync_copy(dst.at[pl.ds(off, CHUNK)], idxv)

        @pl.when(cid == 0)
        def _l0():
            pltpu.async_copy(pay0.at[pl.ds(off, CHUNK)], pbuf, semp)

        @pl.when(cid == 1)
        def _l1():
            pltpu.async_copy(pay1.at[pl.ds(off, CHUNK)], pbuf, semp)

    def wait_p(slot, i):
        idxv, pbuf, semp = slot
        off = base + i * CHUNK
        pltpu.make_async_copy(pay0.at[pl.ds(off, CHUNK)], pbuf, semp).wait()

    issue(slots[0], 0)

    def pair(g, carry):
        for b in (0, 1):
            k = g * 2 + b
            slot, oslot = slots[b], slots[1 - b]
            wait_p(slot, k)

            @pl.when(k + 1 < S_NCH)
            def _():
                issue(oslot, k + 1)

            idxv, pbuf, _ = slot
            pltpu.sync_copy(pbuf, table.at[idxv], add=True)
        return carry

    lax.fori_loop(0, S_NCH // 2, pair, 0)

    off = base + S_NCH * CHUNK
    pltpu.sync_copy(dst.at[pl.ds(off, S_TAIL)], idxt)

    @pl.when(cid == 0)
    def _t0():
        pltpu.sync_copy(pay0.at[pl.ds(off, S_TAIL)], pbuft)

    @pl.when(cid == 1)
    def _t1():
        pltpu.sync_copy(pay1.at[pl.ds(off, S_TAIL)], pbuft)

    pltpu.sync_copy(pbuft, table.at[idxt], add=True)

    plsc.subcore_barrier()

    @pl.when((sid == 0) & (cid == 0))
    def _dump0():
        pltpu.sync_copy(table, out0)

    @pl.when((sid == 0) & (cid == 1))
    def _dump1():
        pltpu.sync_copy(table, out1)


def _scatter(pay0, pay1, dst, zer):
    mesh = plsc.VectorSubcoreMesh(core_axis_name="c", subcore_axis_name="s")
    slot = [
        pltpu.VMEM((CHUNK,), jnp.int32),
        pltpu.VMEM((CHUNK, 128), jnp.float32),
        pltpu.SemaphoreType.DMA,
    ]
    tail = [
        pltpu.VMEM((S_TAIL,), jnp.int32),
        pltpu.VMEM((S_TAIL, 128), jnp.float32),
        pltpu.SemaphoreType.DMA,
    ]
    fn = functools.partial(
        pl.kernel,
        out_type=(
            jax.ShapeDtypeStruct((N, 128), jnp.float32),
            jax.ShapeDtypeStruct((N, 128), jnp.float32),
        ),
        mesh=mesh,
        scratch_types=[pltpu.VMEM_SHARED((N, 128), jnp.float32)] + slot + slot + tail,
    )(_scatter_body)
    return fn(pay0, pay1, dst, zer)


def _final_body(p0_ref, p1_ref, sk_ref, m0_ref, m1_ref, d0_ref, d1_ref, out_ref):
    p0 = p0_ref[...]
    p1 = p1_ref[...]
    main = jnp.dot(p0, m0_ref[...], preferred_element_type=jnp.float32)
    main = main + jnp.dot(p1, m1_ref[...], preferred_element_type=jnp.float32)
    den = jnp.dot(p0, d0_ref[...], preferred_element_type=jnp.float32)
    den = den + jnp.dot(p1, d1_ref[...], preferred_element_type=jnp.float32)
    agg = jnp.where(den > 0.0, main / den, 0.0)
    out_ref[...] = agg + sk_ref[...]


def _final(p0, p1, skip, m0, m1, d0, d1):
    return pl.pallas_call(
        _final_body,
        grid=(N // BN,),
        in_specs=[
            pl.BlockSpec((BN, 128), lambda i: (i, 0)),
            pl.BlockSpec((BN, 128), lambda i: (i, 0)),
            pl.BlockSpec((BN, 128), lambda i: (i, 0)),
            pl.BlockSpec((128, 128), lambda i: (0, 0)),
            pl.BlockSpec((128, 128), lambda i: (0, 0)),
            pl.BlockSpec((128, 128), lambda i: (0, 0)),
            pl.BlockSpec((128, 128), lambda i: (0, 0)),
        ],
        out_specs=pl.BlockSpec((BN, 128), lambda i: (i, 0)),
        out_shape=jax.ShapeDtypeStruct((N, 128), jnp.float32),
    )(p0, p1, skip, m0, m1, d0, d1)


def kernel(x, last_update, edge_index, t, msg, W_time, b_time,
           Wq, bq, Wk, bk, Wv, bv, We, Wskip, bskip):
    f32 = jnp.float32
    src = edge_index[0].astype(jnp.int32)
    dst = edge_index[1].astype(jnp.int32)
    lu2d = last_update.astype(f32)[:, None]
    tf = t.astype(f32)[:, None]

    wcat = jnp.concatenate([Wq, Wk, Wv, Wskip], axis=0).T.astype(f32)
    bcat = jnp.concatenate([bq, bk, bv, bskip])[None, :].astype(f32)

    wtr = jnp.zeros((1, 128), f32).at[0, :TIME_DIM].set(W_time[:, 0])
    btr = jnp.zeros((1, 128), f32).at[0, :TIME_DIM].set(b_time)
    wet = jnp.zeros((128, 128), f32).at[:TIME_DIM, :].set(We.T[:TIME_DIM, :])
    wem = We.T[TIME_DIM:, :].astype(f32)

    cols = jnp.arange(128) // C
    shead = (cols[:, None] == jnp.arange(HEADS)[None, :]).astype(f32)
    bh = shead.T

    i128 = jnp.arange(128)
    eye = jnp.eye(128, dtype=f32)
    m0 = jnp.where((i128[None, :] < 64) & (i128[:, None] == i128[None, :]), eye, 0.0)
    m1 = jnp.zeros((128, 128), f32).at[jnp.arange(64), jnp.arange(64) + 64].set(1.0)
    d0 = jnp.zeros((128, 128), f32).at[64, :].set((i128 < 64).astype(f32))
    d1 = jnp.zeros((128, 128), f32).at[64, :].set((i128 >= 64).astype(f32))

    zer = jnp.zeros((N, 128), f32)

    qt, kvt, skip = _tables(x, wcat, bcat, lu2d)
    qd, kvs = _gather(qt, kvt, src, dst)
    pay0, pay1 = _edges(qd, kvs, tf, msg, wtr, btr, wet, wem, shead, bh)
    p0, p1 = _scatter(pay0, pay1, dst, zer)
    return _final(p0, p1, skip, m0, m1, d0, d1)

# --- scband reference (transcript-rebuilt; emitter-appended) ---
"""Pipeline reference for scband-graph-attention-embedding-3075196584340 (READ-ONLY COPY).

The authoritative reference and input builder live on the scoring server;
editing this copy changes nothing except your own understanding.
"""

import jax, jax.numpy as jnp
import numpy as np

N = 10000
E = 320000
IN = 128
OUT = 128
HEADS = 2
C = OUT // HEADS
MSG_DIM = 16
TIME_DIM = 100
EDGE_DIM = MSG_DIM + TIME_DIM


def setup_inputs(seed: int = 0) -> dict:
    key = jax.random.key(seed)
    ks = jax.random.split(key, 16)
    x = jax.random.normal(ks[0], (N, IN), dtype=jnp.float32)
    last_update = jax.random.randint(ks[1], (N,), 0, 100000)
    edge_index = jax.random.randint(ks[2], (2, E), 0, N)
    t = jax.random.randint(ks[3], (E,), 0, 100000)
    msg = jax.random.normal(ks[4], (E, MSG_DIM), dtype=jnp.float32)
    # TimeEncoder: Linear(1, TIME_DIM) followed by cos
    W_time = jax.random.normal(ks[5], (TIME_DIM, 1), dtype=jnp.float32) * 0.05
    b_time = jax.random.normal(ks[6], (TIME_DIM,), dtype=jnp.float32) * 0.05
    # TransformerConv linear layers (heads*C = OUT)
    Wq = jax.random.normal(ks[7], (HEADS * C, IN), dtype=jnp.float32) * 0.05
    bq = jnp.zeros((HEADS * C,), dtype=jnp.float32)
    Wk = jax.random.normal(ks[8], (HEADS * C, IN), dtype=jnp.float32) * 0.05
    bk = jnp.zeros((HEADS * C,), dtype=jnp.float32)
    Wv = jax.random.normal(ks[9], (HEADS * C, IN), dtype=jnp.float32) * 0.05
    bv = jnp.zeros((HEADS * C,), dtype=jnp.float32)
    We = jax.random.normal(ks[10], (HEADS * C, EDGE_DIM), dtype=jnp.float32) * 0.05  # lin_edge, bias=False
    Wskip = jax.random.normal(ks[11], (HEADS * C, IN), dtype=jnp.float32) * 0.05
    bskip = jnp.zeros((HEADS * C,), dtype=jnp.float32)
    return {"x": x, "last_update": last_update, "edge_index": edge_index, "t": t, "msg": msg,
            "W_time": W_time, "b_time": b_time, "Wq": Wq, "bq": bq, "Wk": Wk, "bk": bk,
            "Wv": Wv, "bv": bv, "We": We, "Wskip": Wskip, "bskip": bskip}


def reference(x, last_update, edge_index, t, msg, W_time, b_time, Wq, bq, Wk, bk, Wv, bv, We, Wskip, bskip):
    src = edge_index[0]
    dst = edge_index[1]
    # rel_t = last_update[edge_index[0]] - t ; time encoding = cos(Linear(rel_t))
    rel_t = (last_update[src] - t).astype(x.dtype)
    rel_t_enc = jnp.cos(rel_t[:, None] * W_time[:, 0][None, :] + b_time[None, :])  # [E, TIME_DIM]
    edge_attr = jnp.concatenate([rel_t_enc, msg], axis=-1)  # [E, EDGE_DIM]
    # TransformerConv(heads=2, out=C per head, edge_dim=EDGE_DIM, dropout inactive in eval)
    q = (x @ Wq.T + bq).reshape(N, HEADS, C)
    k = (x @ Wk.T + bk).reshape(N, HEADS, C)
    v = (x @ Wv.T + bv).reshape(N, HEADS, C)
    e = (edge_attr @ We.T).reshape(E, HEADS, C)
    q_i = q[dst]
    k_j = k[src] + e
    v_j = v[src] + e
    alpha = jnp.sum(q_i * k_j, axis=-1) / jnp.sqrt(float(C))  # [E, HEADS]
    # segment softmax over destination nodes
    amax = jax.ops.segment_max(alpha, dst, num_segments=N)
    amax = jnp.where(jnp.isfinite(amax), amax, 0.0)
    ex = jnp.exp(alpha - amax[dst])
    denom = jax.ops.segment_sum(ex, dst, num_segments=N)
    attn = ex / (denom[dst] + 1e-16)
    out_e = v_j * attn[:, :, None]  # [E, HEADS, C]
    agg = jax.ops.segment_sum(out_e.reshape(E, HEADS * C), dst, num_segments=N)  # [N, OUT]
    out = agg + (x @ Wskip.T + bskip)  # root/skip connection
    return out

if __name__ == "__main__":
    import jax
    _d = setup_inputs()
    print(jax.jit(kernel)(*tuple(_d.values())))

</pallas_src>

<mosaic_0001>
#map = affine_map<(d0, d1) -> (0, 0)>
#map1 = affine_map<(d0, d1) -> (0)>
module attributes {stable_mosaic.version = 14 : i64} {
  func.func @_gather_body(%arg0: i32, %arg1: i32, %arg2: memref<10000x128xf32, #tpu.memory_space<hbm>>, %arg3: memref<10000x256xf32, #tpu.memory_space<hbm>>, %arg4: memref<320000xi32, #tpu.memory_space<hbm>>, %arg5: memref<320000xi32, #tpu.memory_space<hbm>>, %arg6: memref<320000x128xf32, #tpu.memory_space<hbm>>, %arg7: memref<320000x256xf32, #tpu.memory_space<hbm>>, %arg8: memref<128xi32, #tpu.memory_space<vmem>>, %arg9: memref<128xi32, #tpu.memory_space<vmem>>, %arg10: memref<128x128xf32, #tpu.memory_space<vmem>>, %arg11: memref<128x256xf32, #tpu.memory_space<vmem>>, %arg12: memref<!tpu.dma_semaphore, #tpu.memory_space<semaphore_mem>>, %arg13: memref<!tpu.dma_semaphore, #tpu.memory_space<semaphore_mem>>, %arg14: memref<128xi32, #tpu.memory_space<vmem>>, %arg15: memref<128xi32, #tpu.memory_space<vmem>>, %arg16: memref<128x128xf32, #tpu.memory_space<vmem>>, %arg17: memref<128x256xf32, #tpu.memory_space<vmem>>, %arg18: memref<!tpu.dma_semaphore, #tpu.memory_space<semaphore_mem>>, %arg19: memref<!tpu.dma_semaphore, #tpu.memory_space<semaphore_mem>>, %arg20: memref<16xi32, #tpu.memory_space<vmem>>, %arg21: memref<16xi32, #tpu.memory_space<vmem>>, %arg22: memref<16x128xf32, #tpu.memory_space<vmem>>, %arg23: memref<16x256xf32, #tpu.memory_space<vmem>>, %arg24: memref<!tpu.dma_semaphore, #tpu.memory_space<semaphore_mem>>) attributes {dimension_semantics = [#tpu.dimension_semantics<core_parallel>, #tpu.dimension_semantics<subcore_parallel>], iteration_bounds = array<i64: 2, 16>, scalar_prefetch = 0 : i64, scratch_operands = 17 : i64, tpu.core_type = #tpu.core_type<sc_vector_subcore>, window_params = [{transform_indices = #map}, {transform_indices = #map}, {transform_indices = #map1}, {transform_indices = #map1}, {transform_indices = #map}, {transform_indices = #map}]} {
    %mul3A = arith.constant 2 : i32
    %mul3A_0 = arith.muli %arg1, %mul3A : i32
    %add3A = arith.addi %mul3A_0, %arg0 : i32
    %mul3A_1 = arith.constant 10000 : i32
    %mul3A_2 = arith.muli %add3A, %mul3A_1 : i32
    %add3A_3 = arith.constant 0 : i32
    %add3A_4 = arith.addi %mul3A_2, %add3A_3 : i32
    "tpu.region"() ({
      %run_scoped3A = tpu.sem_alloc : memref<!tpu.dma_semaphore, #tpu.memory_space<semaphore_mem>>
      %dma_start3A_38 = tpu.memref_slice %arg4[%add3A_4] : memref<320000xi32, #tpu.memory_space<hbm>> -> memref<128xi32, #tpu.memory_space<hbm>>
      %dma_start3A_39 = tpu.memref_slice %arg4[%add3A_4] : memref<320000xi32, #tpu.memory_space<hbm>> -> memref<128xi32, #tpu.memory_space<hbm>>
      tpu.enqueue_dma source(%dma_start3A_39 : memref<128xi32, #tpu.memory_space<hbm>>) target(%arg8 : memref<128xi32, #tpu.memory_space<vmem>>) target_semaphore(%run_scoped3A : memref<!tpu.dma_semaphore, #tpu.memory_space<semaphore_mem>>)
      %dma_wait3A_40 = tpu.memref_slice %arg4[%add3A_4] : memref<320000xi32, #tpu.memory_space<hbm>> -> memref<128xi32, #tpu.memory_space<hbm>>
      %dma_wait3A_41 = tpu.memref_slice %arg4[%add3A_4] : memref<320000xi32, #tpu.memory_space<hbm>> -> memref<128xi32, #tpu.memory_space<hbm>>
      tpu.wait_dma2 semaphore(%run_scoped3A : memref<!tpu.dma_semaphore, #tpu.memory_space<semaphore_mem>>) src(%dma_wait3A_41 : memref<128xi32, #tpu.memory_space<hbm>>) dst(%arg8 : memref<128xi32, #tpu.memory_space<vmem>>)
      tpu.yield
    }) : () -> ()
    "tpu.region"() ({
      %run_scoped3A = tpu.sem_alloc : memref<!tpu.dma_semaphore, #tpu.memory_space<semaphore_mem>>
      %dma_start3A_38 = tpu.memref_slice %arg5[%add3A_4] : memref<320000xi32, #tpu.memory_space<hbm>> -> memref<128xi32, #tpu.memory_space<hbm>>
      %dma_start3A_39 = tpu.memref_slice %arg5[%add3A_4] : memref<320000xi32, #tpu.memory_space<hbm>> -> memref<128xi32, #tpu.memory_space<hbm>>
      tpu.enqueue_dma source(%dma_start3A_39 : memref<128xi32, #tpu.memory_space<hbm>>) target(%arg9 : memref<128xi32, #tpu.memory_space<vmem>>) target_semaphore(%run_scoped3A : memref<!tpu.dma_semaphore, #tpu.memory_space<semaphore_mem>>)
      %dma_wait3A_40 = tpu.memref_slice %arg5[%add3A_4] : memref<320000xi32, #tpu.memory_space<hbm>> -> memref<128xi32, #tpu.memory_space<hbm>>
      %dma_wait3A_41 = tpu.memref_slice %arg5[%add3A_4] : memref<320000xi32, #tpu.memory_space<hbm>> -> memref<128xi32, #tpu.memory_space<hbm>>
      tpu.wait_dma2 semaphore(%run_scoped3A : memref<!tpu.dma_semaphore, #tpu.memory_space<semaphore_mem>>) src(%dma_wait3A_41 : memref<128xi32, #tpu.memory_space<hbm>>) dst(%arg9 : memref<128xi32, #tpu.memory_space<vmem>>)
      tpu.yield
    }) : () -> ()
    %dma_start3A = arith.constant 0 : i32
    %dma_start3A_5 = arith.constant 0 : i32
    %dma_start3A_6 = tpu.memref_slice %arg2[%dma_start3A, %dma_start3A_5] : memref<10000x128xf32, #tpu.memory_space<hbm>> -> memref<10000x128xf32, #tpu.memory_space<hbm>>
    tpu.enqueue_indirect_dma source(%dma_start3A_6 : memref<10000x128xf32, #tpu.memory_space<hbm>>) target(%arg10 : memref<128x128xf32, #tpu.memory_space<vmem>>) offsets(%arg9 : memref<128xi32, #tpu.memory_space<vmem>>) semaphore(%arg12 : memref<!tpu.dma_semaphore, #tpu.memory_space<semaphore_mem>>)
    %dma_start3A_7 = arith.constant 0 : i32
    %dma_start3A_8 = arith.constant 0 : i32
    %dma_start3A_9 = tpu.memref_slice %arg3[%dma_start3A_7, %dma_start3A_8] : memref<10000x256xf32, #tpu.memory_space<hbm>> -> memref<10000x256xf32, #tpu.memory_space<hbm>>
    tpu.enqueue_indirect_dma source(%dma_start3A_9 : memref<10000x256xf32, #tpu.memory_space<hbm>>) target(%arg11 : memref<128x256xf32, #tpu.memory_space<vmem>>) offsets(%arg8 : memref<128xi32, #tpu.memory_space<vmem>>) semaphore(%arg12 : memref<!tpu.dma_semaphore, #tpu.memory_space<semaphore_mem>>)
    %scan3A = arith.constant 0 : i32
    %scan3A_10 = arith.constant 0 : i32
    %scan3A_11 = arith.constant 39 : i32
    %scan3A_12 = arith.addi %scan3A_10, %scan3A_11 : i32
    %scan3A_13 = arith.constant 1 : i32
    scf.for %scan3A_38 = %scan3A_10 to %scan3A_12 step %scan3A_13  : i32 {
      %mul3A_39 = arith.constant 2 : i32
      %mul3A_40 = arith.muli %scan3A_38, %mul3A_39 : i32
      %add3A_41 = arith.constant 0 : i32
      %add3A_42 = arith.addi %mul3A_40, %add3A_41 : i32
      %dma_wait3A_43 = arith.constant 0 : i32
      %dma_wait3A_44 = arith.constant 0 : i32
      %dma_wait3A_45 = tpu.memref_slice %arg2[%dma_wait3A_43, %dma_wait3A_44] : memref<10000x128xf32, #tpu.memory_space<hbm>> -> memref<10000x128xf32, #tpu.memory_space<hbm>>
      tpu.wait_indirect_dma semaphore(%arg12 : memref<!tpu.dma_semaphore, #tpu.memory_space<semaphore_mem>>) src(%dma_wait3A_45 : memref<10000x128xf32, #tpu.memory_space<hbm>>) dst(%arg10 : memref<128x128xf32, #tpu.memory_space<vmem>>)
      %dma_wait3A_46 = arith.constant 0 : i32
      %dma_wait3A_47 = arith.constant 0 : i32
      %dma_wait3A_48 = tpu.memref_slice %arg3[%dma_wait3A_46, %dma_wait3A_47] : memref<10000x256xf32, #tpu.memory_space<hbm>> -> memref<10000x256xf32, #tpu.memory_space<hbm>>
      tpu.wait_indirect_dma semaphore(%arg12 : memref<!tpu.dma_semaphore, #tpu.memory_space<semaphore_mem>>) src(%dma_wait3A_48 : memref<10000x256xf32, #tpu.memory_space<hbm>>) dst(%arg11 : memref<128x256xf32, #tpu.memory_space<vmem>>)
      %mul3A_49 = arith.constant 128 : i32
      %mul3A_50 = arith.muli %add3A_42, %mul3A_49 : i32
      %add3A_51 = arith.addi %mul3A_2, %mul3A_50 : i32
      %dma_start3A_52 = arith.constant 0 : i32
      %dma_start3A_53 = tpu.memref_slice %arg6[%add3A_51, %dma_start3A_52] : memref<320000x128xf32, #tpu.memory_space<hbm>> -> memref<128x128xf32, #tpu.memory_space<hbm>>
      %dma_start3A_54 = arith.constant 0 : i32
      %dma_start3A_55 = tpu.memref_slice %arg6[%add3A_51, %dma_start3A_54] : memref<320000x128xf32, #tpu.memory_space<hbm>> -> memref<128x128xf32, #tpu.memory_space<hbm>>
      tpu.enqueue_dma source(%arg10 : memref<128x128xf32, #tpu.memory_space<vmem>>) target(%dma_start3A_55 : memref<128x128xf32, #tpu.memory_space<hbm>>) target_semaphore(%arg13 : memref<!tpu.dma_semaphore, #tpu.memory_space<semaphore_mem>>)
      %dma_start3A_56 = arith.constant 0 : i32
      %dma_start3A_57 = tpu.memref_slice %arg7[%add3A_51, %dma_start3A_56] : memref<320000x256xf32, #tpu.memory_space<hbm>> -> memref<128x256xf32, #tpu.memory_space<hbm>>
      %dma_start3A_58 = arith.constant 0 : i32
      %dma_start3A_59 = tpu.memref_slice %arg7[%add3A_51, %dma_start3A_58] : memref<320000x256xf32, #tpu.memory_space<hbm>> -> memref<128x256xf32, #tpu.memory_space<hbm>>
      tpu.enqueue_dma source(%arg11 : memref<128x256xf32, #tpu.memory_space<vmem>>) target(%dma_start3A_59 : memref<128x256xf32, #tpu.memory_space<hbm>>) target_semaphore(%arg13 : memref<!tpu.dma_semaphore, #tpu.memory_space<semaphore_mem>>)
      %ge3A = arith.constant 1 : i32
      %ge3A_60 = arith.cmpi sge, %add3A_42, %ge3A : i32
      %convert_element_type3A = arith.extui %ge3A_60 : i1 to i32
      %cond3A = arith.constant 0 : i32
      %cond3A_61 = arith.cmpi ne, %convert_element_type3A, %cond3A : i32
      scf.if %cond3A_61 {
        %sub3A = arith.constant 1 : i32
        %sub3A_101 = arith.subi %add3A_42, %sub3A : i32
        %mul3A_102 = arith.constant 128 : i32
        %mul3A_103 = arith.muli %sub3A_101, %mul3A_102 : i32
        %add3A_104 = arith.addi %mul3A_2, %mul3A_103 : i32
        %dma_wait3A_105 = arith.constant 0 : i32
        %dma_wait3A_106 = tpu.memref_slice %arg6[%add3A_104, %dma_wait3A_105] : memref<320000x128xf32, #tpu.memory_space<hbm>> -> memref<128x128xf32, #tpu.memory_space<hbm>>
        %dma_wait3A_107 = arith.constant 0 : i32
        %dma_wait3A_108 = tpu.memref_slice %arg6[%add3A_104, %dma_wait3A_107] : memref<320000x128xf32, #tpu.memory_space<hbm>> -> memref<128x128xf32, #tpu.memory_space<hbm>>
        tpu.wait_dma2 semaphore(%arg19 : memref<!tpu.dma_semaphore, #tpu.memory_space<semaphore_mem>>) src(%arg16 : memref<128x128xf32, #tpu.memory_space<vmem>>) dst(%dma_wait3A_108 : memref<128x128xf32, #tpu.memory_space<hbm>>)
        %dma_wait3A_109 = arith.constant 0 : i32
        %dma_wait3A_110 = tpu.memref_slice %arg7[%add3A_104, %dma_wait3A_109] : memref<320000x256xf32, #tpu.memory_space<hbm>> -> memref<128x256xf32, #tpu.memory_space<hbm>>
        %dma_wait3A_111 = arith.constant 0 : i32
        %dma_wait3A_112 = tpu.memref_slice %arg7[%add3A_104, %dma_wait3A_111] : memref<320000x256xf32, #tpu.memory_space<hbm>> -> memref<128x256xf32, #tpu.memory_space<hbm>>
        tpu.wait_dma2 semaphore(%arg19 : memref<!tpu.dma_semaphore, #tpu.memory_space<semaphore_mem>>) src(%arg17 : memref<128x256xf32, #tpu.memory_space<vmem>>) dst(%dma_wait3A_112 : memref<128x256xf32, #tpu.memory_space<hbm>>)
      } else {
      }
      %add3A_62 = arith.constant 1 : i32
      %add3A_63 = arith.addi %add3A_42, %add3A_62 : i32
      %lt3A = arith.constant 78 : i32
      %lt3A_64 = arith.cmpi slt, %add3A_63, %lt3A : i32
      %convert_element_type3A_65 = arith.extui %lt3A_64 : i1 to i32
      %cond3A_66 = arith.constant 0 : i32
      %cond3A_67 = arith.cmpi ne, %convert_element_type3A_65, %cond3A_66 : i32
      scf.if %cond3A_67 {
        %add3A_101 = arith.constant 1 : i32
        %add3A_102 = arith.addi %add3A_42, %add3A_101 : i32
        %mul3A_103 = arith.constant 128 : i32
        %mul3A_104 = arith.muli %add3A_102, %mul3A_103 : i32
        %add3A_105 = arith.addi %mul3A_2, %mul3A_104 : i32
        "tpu.region"() ({
          %run_scoped3A = tpu.sem_alloc : memref<!tpu.dma_semaphore, #tpu.memory_space<semaphore_mem>>
          %dma_start3A_112 = tpu.memref_slice %arg4[%add3A_105] : memref<320000xi32, #tpu.memory_space<hbm>> -> memref<128xi32, #tpu.memory_space<hbm>>
          %dma_start3A_113 = tpu.memref_slice %arg4[%add3A_105] : memref<320000xi32, #tpu.memory_space<hbm>> -> memref<128xi32, #tpu.memory_space<hbm>>
          tpu.enqueue_dma source(%dma_start3A_113 : memref<128xi32, #tpu.memory_space<hbm>>) target(%arg14 : memref<128xi32, #tpu.memory_space<vmem>>) target_semaphore(%run_scoped3A : memref<!tpu.dma_semaphore, #tpu.memory_space<semaphore_mem>>)
          %dma_wait3A_114 = tpu.memref_slice %arg4[%add3A_105] : memref<320000xi32, #tpu.memory_space<hbm>> -> memref<128xi32, #tpu.memory_space<hbm>>
          %dma_wait3A_115 = tpu.memref_slice %arg4[%add3A_105] : memref<320000xi32, #tpu.memory_space<hbm>> -> memref<128xi32, #tpu.memory_space<hbm>>
          tpu.wait_dma2 semaphore(%run_scoped3A : memref<!tpu.dma_semaphore, #tpu.memory_space<semaphore_mem>>) src(%dma_wait3A_115 : memref<128xi32, #tpu.memory_space<hbm>>) dst(%arg14 : memref<128xi32, #tpu.memory_space<vmem>>)
          tpu.yield
        }) : () -> ()
        "tpu.region"() ({
          %run_scoped3A = tpu.sem_alloc : memref<!tpu.dma_semaphore, #tpu.memory_space<semaphore_mem>>
          %dma_start3A_112 = tpu.memref_slice %arg5[%add3A_105] : memref<320000xi32, #tpu.memory_space<hbm>> -> memref<128xi32, #tpu.memory_space<hbm>>
          %dma_start3A_113 = tpu.memref_slice %arg5[%add3A_105] : memref<320000xi32, #tpu.memory_space<hbm>> -> memref<128xi32, #tpu.memory_space<hbm>>
          tpu.enqueue_dma source(%dma_start3A_113 : memref<128xi32, #tpu.memory_space<hbm>>) target(%arg15 : memref<128xi32, #tpu.memory_space<vmem>>) target_semaphore(%run_scoped3A : memref<!tpu.dma_semaphore, #tpu.memory_space<semaphore_mem>>)
          %dma_wait3A_114 = tpu.memref_slice %arg5[%add3A_105] : memref<320000xi32, #tpu.memory_space<hbm>> -> memref<128xi32, #tpu.memory_space<hbm>>
          %dma_wait3A_115 = tpu.memref_slice %arg5[%add3A_105] : memref<320000xi32, #tpu.memory_space<hbm>> -> memref<128xi32, #tpu.memory_space<hbm>>
          tpu.wait_dma2 semaphore(%run_scoped3A : memref<!tpu.dma_semaphore, #tpu.memory_space<semaphore_mem>>) src(%dma_wait3A_115 : memref<128xi32, #tpu.memory_space<hbm>>) dst(%arg15 : memref<128xi32, #tpu.memory_space<vmem>>)
          tpu.yield
        }) : () -> ()
        %dma_start3A_106 = arith.constant 0 : i32
        %dma_start3A_107 = arith.constant 0 : i32
        %dma_start3A_108 = tpu.memref_slice %arg2[%dma_start3A_106, %dma_start3A_107] : memref<10000x128xf32, #tpu.memory_space<hbm>> -> memref<10000x128xf32, #tpu.memory_space<hbm>>
        tpu.enqueue_indirect_dma source(%dma_start3A_108 : memref<10000x128xf32, #tpu.memory_space<hbm>>) target(%arg16 : memref<128x128xf32, #tpu.memory_space<vmem>>) offsets(%arg15 : memref<128xi32, #tpu.memory_space<vmem>>) semaphore(%arg18 : memref<!tpu.dma_semaphore, #tpu.memory_space<semaphore_mem>>)
        %dma_start3A_109 = arith.constant 0 : i32
        %dma_start3A_110 = arith.constant 0 : i32
        %dma_start3A_111 = tpu.memref_slice %arg3[%dma_start3A_109, %dma_start3A_110] : memref<10000x256xf32, #tpu.memory_space<hbm>> -> memref<10000x256xf32, #tpu.memory_space<hbm>>
        tpu.enqueue_indirect_dma source(%dma_start3A_111 : memref<10000x256xf32, #tpu.memory_space<hbm>>) target(%arg17 : memref<128x256xf32, #tpu.memory_space<vmem>>) offsets(%arg14 : memref<128xi32, #tpu.memory_space<vmem>>) semaphore(%arg18 : memref<!tpu.dma_semaphore, #tpu.memory_space<semaphore_mem>>)
      } else {
      }
      %mul3A_68 = arith.constant 2 : i32
      %mul3A_69 = arith.muli %scan3A_38, %mul3A_68 : i32
      %add3A_70 = arith.constant 1 : i32
      %add3A_71 = arith.addi %mul3A_69, %add3A_70 : i32
      %dma_wait3A_72 = arith.constant 0 : i32
      %dma_wait3A_73 = arith.constant 0 : i32
      %dma_wait3A_74 = tpu.memref_slice %arg2[%dma_wait3A_72, %dma_wait3A_73] : memref<10000x128xf32, #tpu.memory_space<hbm>> -> memref<10000x128xf32, #tpu.memory_space<hbm>>
      tpu.wait_indirect_dma semaphore(%arg18 : memref<!tpu.dma_semaphore, #tpu.memory_space<semaphore_mem>>) src(%dma_wait3A_74 : memref<10000x128xf32, #tpu.memory_space<hbm>>) dst(%arg16 : memref<128x128xf32, #tpu.memory_space<vmem>>)
      %dma_wait3A_75 = arith.constant 0 : i32
      %dma_wait3A_76 = arith.constant 0 : i32
      %dma_wait3A_77 = tpu.memref_slice %arg3[%dma_wait3A_75, %dma_wait3A_76] : memref<10000x256xf32, #tpu.memory_space<hbm>> -> memref<10000x256xf32, #tpu.memory_space<hbm>>
      tpu.wait_indirect_dma semaphore(%arg18 : memref<!tpu.dma_semaphore, #tpu.memory_space<semaphore_mem>>) src(%dma_wait3A_77 : memref<10000x256xf32, #tpu.memory_space<hbm>>) dst(%arg17 : memref<128x256xf32, #tpu.memory_space<vmem>>)
      %mul3A_78 = arith.constant 128 : i32
      %mul3A_79 = arith.muli %add3A_71, %mul3A_78 : i32
      %add3A_80 = arith.addi %mul3A_2, %mul3A_79 : i32
      %dma_start3A_81 = arith.constant 0 : i32
      %dma_start3A_82 = tpu.memref_slice %arg6[%add3A_80, %dma_start3A_81] : memref<320000x128xf32, #tpu.memory_space<hbm>> -> memref<128x128xf32, #tpu.memory_space<hbm>>
      %dma_start3A_83 = arith.constant 0 : i32
      %dma_start3A_84 = tpu.memref_slice %arg6[%add3A_80, %dma_start3A_83] : memref<320000x128xf32, #tpu.memory_space<hbm>> -> memref<128x128xf32, #tpu.memory_space<hbm>>
      tpu.enqueue_dma source(%arg16 : memref<128x128xf32, #tpu.memory_space<vmem>>) target(%dma_start3A_84 : memref<128x128xf32, #tpu.memory_space<hbm>>) target_semaphore(%arg19 : memref<!tpu.dma_semaphore, #tpu.memory_space<semaphore_mem>>)
      %dma_start3A_85 = arith.constant 0 : i32
      %dma_start3A_86 = tpu.memref_slice %arg7[%add3A_80, %dma_start3A_85] : memref<320000x256xf32, #tpu.memory_space<hbm>> -> memref<128x256xf32, #tpu.memory_space<hbm>>
      %dma_start3A_87 = arith.constant 0 : i32
      %dma_start3A_88 = tpu.memref_slice %arg7[%add3A_80, %dma_start3A_87] : memref<320000x256xf32, #tpu.memory_space<hbm>> -> memref<128x256xf32, #tpu.memory_space<hbm>>
      tpu.enqueue_dma source(%arg17 : memref<128x256xf32, #tpu.memory_space<vmem>>) target(%dma_start3A_88 : memref<128x256xf32, #tpu.memory_space<hbm>>) target_semaphore(%arg19 : memref<!tpu.dma_semaphore, #tpu.memory_space<semaphore_mem>>)
      %ge3A_89 = arith.constant 1 : i32
      %ge3A_90 = arith.cmpi sge, %add3A_71, %ge3A_89 : i32
      %convert_element_type3A_91 = arith.extui %ge3A_90 : i1 to i32
      %cond3A_92 = arith.constant 0 : i32
      %cond3A_93 = arith.cmpi ne, %convert_element_type3A_91, %cond3A_92 : i32
      scf.if %cond3A_93 {
        %sub3A = arith.constant 1 : i32
        %sub3A_101 = arith.subi %add3A_71, %sub3A : i32
        %mul3A_102 = arith.constant 128 : i32
        %mul3A_103 = arith.muli %sub3A_101, %mul3A_102 : i32
        %add3A_104 = arith.addi %mul3A_2, %mul3A_103 : i32
        %dma_wait3A_105 = arith.constant 0 : i32
        %dma_wait3A_106 = tpu.memref_slice %arg6[%add3A_104, %dma_wait3A_105] : memref<320000x128xf32, #tpu.memory_space<hbm>> -> memref<128x128xf32, #tpu.memory_space<hbm>>
        %dma_wait3A_107 = arith.constant 0 : i32
        %dma_wait3A_108 = tpu.memref_slice %arg6[%add3A_104, %dma_wait3A_107] : memref<320000x128xf32, #tpu.memory_space<hbm>> -> memref<128x128xf32, #tpu.memory_space<hbm>>
        tpu.wait_dma2 semaphore(%arg13 : memref<!tpu.dma_semaphore, #tpu.memory_space<semaphore_mem>>) src(%arg10 : memref<128x128xf32, #tpu.memory_space<vmem>>) dst(%dma_wait3A_108 : memref<128x128xf32, #tpu.memory_space<hbm>>)
        %dma_wait3A_109 = arith.constant 0 : i32
        %dma_wait3A_110 = tpu.memref_slice %arg7[%add3A_104, %dma_wait3A_109] : memref<320000x256xf32, #tpu.memory_space<hbm>> -> memref<128x256xf32, #tpu.memory_space<hbm>>
        %dma_wait3A_111 = arith.constant 0 : i32
        %dma_wait3A_112 = tpu.memref_slice %arg7[%add3A_104, %dma_wait3A_111] : memref<320000x256xf32, #tpu.memory_space<hbm>> -> memref<128x256xf32, #tpu.memory_space<hbm>>
        tpu.wait_dma2 semaphore(%arg13 : memref<!tpu.dma_semaphore, #tpu.memory_space<semaphore_mem>>) src(%arg11 : memref<128x256xf32, #tpu.memory_space<vmem>>) dst(%dma_wait3A_112 : memref<128x256xf32, #tpu.memory_space<hbm>>)
      } else {
      }
      %add3A_94 = arith.constant 1 : i32
      %add3A_95 = arith.addi %add3A_71, %add3A_94 : i32
      %lt3A_96 = arith.constant 78 : i32
      %lt3A_97 = arith.cmpi slt, %add3A_95, %lt3A_96 : i32
      %convert_element_type3A_98 = arith.extui %lt3A_97 : i1 to i32
      %cond3A_99 = arith.constant 0 : i32
      %cond3A_100 = arith.cmpi ne, %convert_element_type3A_98, %cond3A_99 : i32
      scf.if %cond3A_100 {
        %add3A_101 = arith.constant 1 : i32
        %add3A_102 = arith.addi %add3A_71, %add3A_101 : i32
        %mul3A_103 = arith.constant 128 : i32
        %mul3A_104 = arith.muli %add3A_102, %mul3A_103 : i32
        %add3A_105 = arith.addi %mul3A_2, %mul3A_104 : i32
        "tpu.region"() ({
          %run_scoped3A = tpu.sem_alloc : memref<!tpu.dma_semaphore, #tpu.memory_space<semaphore_mem>>
          %dma_start3A_112 = tpu.memref_slice %arg4[%add3A_105] : memref<320000xi32, #tpu.memory_space<hbm>> -> memref<128xi32, #tpu.memory_space<hbm>>
          %dma_start3A_113 = tpu.memref_slice %arg4[%add3A_105] : memref<320000xi32, #tpu.memory_space<hbm>> -> memref<128xi32, #tpu.memory_space<hbm>>
          tpu.enqueue_dma source(%dma_start3A_113 : memref<128xi32, #tpu.memory_space<hbm>>) target(%arg8 : memref<128xi32, #tpu.memory_space<vmem>>) target_semaphore(%run_scoped3A : memref<!tpu.dma_semaphore, #tpu.memory_space<semaphore_mem>>)
          %dma_wait3A_114 = tpu.memref_slice %arg4[%add3A_105] : memref<320000xi32, #tpu.memory_space<hbm>> -> memref<128xi32, #tpu.memory_space<hbm>>
          %dma_wait3A_115 = tpu.memref_slice %arg4[%add3A_105] : memref<320000xi32, #tpu.memory_space<hbm>> -> memref<128xi32, #tpu.memory_space<hbm>>
          tpu.wait_dma2 semaphore(%run_scoped3A : memref<!tpu.dma_semaphore, #tpu.memory_space<semaphore_mem>>) src(%dma_wait3A_115 : memref<128xi32, #tpu.memory_space<hbm>>) dst(%arg8 : memref<128xi32, #tpu.memory_space<vmem>>)
          tpu.yield
        }) : () -> ()
        "tpu.region"() ({
          %run_scoped3A = tpu.sem_alloc : memref<!tpu.dma_semaphore, #tpu.memory_space<semaphore_mem>>
          %dma_start3A_112 = tpu.memref_slice %arg5[%add3A_105] : memref<320000xi32, #tpu.memory_space<hbm>> -> memref<128xi32, #tpu.memory_space<hbm>>
          %dma_start3A_113 = tpu.memref_slice %arg5[%add3A_105] : memref<320000xi32, #tpu.memory_space<hbm>> -> memref<128xi32, #tpu.memory_space<hbm>>
          tpu.enqueue_dma source(%dma_start3A_113 : memref<128xi32, #tpu.memory_space<hbm>>) target(%arg9 : memref<128xi32, #tpu.memory_space<vmem>>) target_semaphore(%run_scoped3A : memref<!tpu.dma_semaphore, #tpu.memory_space<semaphore_mem>>)
          %dma_wait3A_114 = tpu.memref_slice %arg5[%add3A_105] : memref<320000xi32, #tpu.memory_space<hbm>> -> memref<128xi32, #tpu.memory_space<hbm>>
          %dma_wait3A_115 = tpu.memref_slice %arg5[%add3A_105] : memref<320000xi32, #tpu.memory_space<hbm>> -> memref<128xi32, #tpu.memory_space<hbm>>
          tpu.wait_dma2 semaphore(%run_scoped3A : memref<!tpu.dma_semaphore, #tpu.memory_space<semaphore_mem>>) src(%dma_wait3A_115 : memref<128xi32, #tpu.memory_space<hbm>>) dst(%arg9 : memref<128xi32, #tpu.memory_space<vmem>>)
          tpu.yield
        }) : () -> ()
        %dma_start3A_106 = arith.constant 0 : i32
        %dma_start3A_107 = arith.constant 0 : i32
        %dma_start3A_108 = tpu.memref_slice %arg2[%dma_start3A_106, %dma_start3A_107] : memref<10000x128xf32, #tpu.memory_space<hbm>> -> memref<10000x128xf32, #tpu.memory_space<hbm>>
        tpu.enqueue_indirect_dma source(%dma_start3A_108 : memref<10000x128xf32, #tpu.memory_space<hbm>>) target(%arg10 : memref<128x128xf32, #tpu.memory_space<vmem>>) offsets(%arg9 : memref<128xi32, #tpu.memory_space<vmem>>) semaphore(%arg12 : memref<!tpu.dma_semaphore, #tpu.memory_space<semaphore_mem>>)
        %dma_start3A_109 = arith.constant 0 : i32
        %dma_start3A_110 = arith.constant 0 : i32
        %dma_start3A_111 = tpu.memref_slice %arg3[%dma_start3A_109, %dma_start3A_110] : memref<10000x256xf32, #tpu.memory_space<hbm>> -> memref<10000x256xf32, #tpu.memory_space<hbm>>
        tpu.enqueue_indirect_dma source(%dma_start3A_111 : memref<10000x256xf32, #tpu.memory_space<hbm>>) target(%arg11 : memref<128x256xf32, #tpu.memory_space<vmem>>) offsets(%arg8 : memref<128xi32, #tpu.memory_space<vmem>>) semaphore(%arg12 : memref<!tpu.dma_semaphore, #tpu.memory_space<semaphore_mem>>)
      } else {
      }
    }
    %scan3A_14 = arith.constant 39 : i32
    %add3A_15 = arith.constant 9856 : i32
    %add3A_16 = arith.addi %mul3A_2, %add3A_15 : i32
    %dma_wait3A = arith.constant 0 : i32
    %dma_wait3A_17 = tpu.memref_slice %arg6[%add3A_16, %dma_wait3A] : memref<320000x128xf32, #tpu.memory_space<hbm>> -> memref<128x128xf32, #tpu.memory_space<hbm>>
    %dma_wait3A_18 = arith.constant 0 : i32
    %dma_wait3A_19 = tpu.memref_slice %arg6[%add3A_16, %dma_wait3A_18] : memref<320000x128xf32, #tpu.memory_space<hbm>> -> memref<128x128xf32, #tpu.memory_space<hbm>>
    tpu.wait_dma2 semaphore(%arg19 : memref<!tpu.dma_semaphore, #tpu.memory_space<semaphore_mem>>) src(%arg16 : memref<128x128xf32, #tpu.memory_space<vmem>>) dst(%dma_wait3A_19 : memref<128x128xf32, #tpu.memory_space<hbm>>)
    %dma_wait3A_20 = arith.constant 0 : i32
    %dma_wait3A_21 = tpu.memref_slice %arg7[%add3A_16, %dma_wait3A_20] : memref<320000x256xf32, #tpu.memory_space<hbm>> -> memref<128x256xf32, #tpu.memory_space<hbm>>
    %dma_wait3A_22 = arith.constant 0 : i32
    %dma_wait3A_23 = tpu.memref_slice %arg7[%add3A_16, %dma_wait3A_22] : memref<320000x256xf32, #tpu.memory_space<hbm>> -> memref<128x256xf32, #tpu.memory_space<hbm>>
    tpu.wait_dma2 semaphore(%arg19 : memref<!tpu.dma_semaphore, #tpu.memory_space<semaphore_mem>>) src(%arg17 : memref<128x256xf32, #tpu.memory_space<vmem>>) dst(%dma_wait3A_23 : memref<128x256xf32, #tpu.memory_space<hbm>>)
    %add3A_24 = arith.constant 9984 : i32
    %add3A_25 = arith.addi %mul3A_2, %add3A_24 : i32
    "tpu.region"() ({
      %run_scoped3A = tpu.sem_alloc : memref<!tpu.dma_semaphore, #tpu.memory_space<semaphore_mem>>
      %dma_start3A_38 = tpu.memref_slice %arg4[%add3A_25] : memref<320000xi32, #tpu.memory_space<hbm>> -> memref<16xi32, #tpu.memory_space<hbm>>
      %dma_start3A_39 = tpu.memref_slice %arg4[%add3A_25] : memref<320000xi32, #tpu.memory_space<hbm>> -> memref<16xi32, #tpu.memory_space<hbm>>
      tpu.enqueue_dma source(%dma_start3A_39 : memref<16xi32, #tpu.memory_space<hbm>>) target(%arg20 : memref<16xi32, #tpu.memory_space<vmem>>) target_semaphore(%run_scoped3A : memref<!tpu.dma_semaphore, #tpu.memory_space<semaphore_mem>>)
      %dma_wait3A_40 = tpu.memref_slice %arg4[%add3A_25] : memref<320000xi32, #tpu.memory_space<hbm>> -> memref<16xi32, #tpu.memory_space<hbm>>
      %dma_wait3A_41 = tpu.memref_slice %arg4[%add3A_25] : memref<320000xi32, #tpu.memory_space<hbm>> -> memref<16xi32, #tpu.memory_space<hbm>>
      tpu.wait_dma2 semaphore(%run_scoped3A : memref<!tpu.dma_semaphore, #tpu.memory_space<semaphore_mem>>) src(%dma_wait3A_41 : memref<16xi32, #tpu.memory_space<hbm>>) dst(%arg20 : memref<16xi32, #tpu.memory_space<vmem>>)
      tpu.yield
    }) : () -> ()
    "tpu.region"() ({
      %run_scoped3A = tpu.sem_alloc : memref<!tpu.dma_semaphore, #tpu.memory_space<semaphore_mem>>
      %dma_start3A_38 = tpu.memref_slice %arg5[%add3A_25] : memref<320000xi32, #tpu.memory_space<hbm>> -> memref<16xi32, #tpu.memory_space<hbm>>
      %dma_start3A_39 = tpu.memref_slice %arg5[%add3A_25] : memref<320000xi32, #tpu.memory_space<hbm>> -> memref<16xi32, #tpu.memory_space<hbm>>
      tpu.enqueue_dma source(%dma_start3A_39 : memref<16xi32, #tpu.memory_space<hbm>>) target(%arg21 : memref<16xi32, #tpu.memory_space<vmem>>) target_semaphore(%run_scoped3A : memref<!tpu.dma_semaphore, #tpu.memory_space<semaphore_mem>>)
      %dma_wait3A_40 = tpu.memref_slice %arg5[%add3A_25] : memref<320000xi32, #tpu.memory_space<hbm>> -> memref<16xi32, #tpu.memory_space<hbm>>
      %dma_wait3A_41 = tpu.memref_slice %arg5[%add3A_25] : memref<320000xi32, #tpu.memory_space<hbm>> -> memref<16xi32, #tpu.memory_space<hbm>>
      tpu.wait_dma2 semaphore(%run_scoped3A : memref<!tpu.dma_semaphore, #tpu.memory_space<semaphore_mem>>) src(%dma_wait3A_41 : memref<16xi32, #tpu.memory_space<hbm>>) dst(%arg21 : memref<16xi32, #tpu.memory_space<vmem>>)
      tpu.yield
    }) : () -> ()
    %dma_start3A_26 = arith.constant 0 : i32
    %dma_start3A_27 = arith.constant 0 : i32
    %dma_start3A_28 = tpu.memref_slice %arg2[%dma_start3A_26, %dma_start3A_27] : memref<10000x128xf32, #tpu.memory_space<hbm>> -> memref<10000x128xf32, #tpu.memory_space<hbm>>
    tpu.enqueue_indirect_dma source(%dma_start3A_28 : memref<10000x128xf32, #tpu.memory_space<hbm>>) target(%arg22 : memref<16x128xf32, #tpu.memory_space<vmem>>) offsets(%arg21 : memref<16xi32, #tpu.memory_space<vmem>>) semaphore(%arg24 : memref<!tpu.dma_semaphore, #tpu.memory_space<semaphore_mem>>)
    %dma_start3A_29 = arith.constant 0 : i32
    %dma_start3A_30 = arith.constant 0 : i32
    %dma_start3A_31 = tpu.memref_slice %arg3[%dma_start3A_29, %dma_start3A_30] : memref<10000x256xf32, #tpu.memory_space<hbm>> -> memref<10000x256xf32, #tpu.memory_space<hbm>>
    tpu.enqueue_indirect_dma source(%dma_start3A_31 : memref<10000x256xf32, #tpu.memory_space<hbm>>) target(%arg23 : memref<16x256xf32, #tpu.memory_space<vmem>>) offsets(%arg20 : memref<16xi32, #tpu.memory_space<vmem>>) semaphore(%arg24 : memref<!tpu.dma_semaphore, #tpu.memory_space<semaphore_mem>>)
    %dma_wait3A_32 = arith.constant 0 : i32
    %dma_wait3A_33 = arith.constant 0 : i32
    %dma_wait3A_34 = tpu.memref_slice %arg2[%dma_wait3A_32, %dma_wait3A_33] : memref<10000x128xf32, #tpu.memory_space<hbm>> -> memref<10000x128xf32, #tpu.memory_space<hbm>>
    tpu.wait_indirect_dma semaphore(%arg24 : memref<!tpu.dma_semaphore, #tpu.memory_space<semaphore_mem>>) src(%dma_wait3A_34 : memref<10000x128xf32, #tpu.memory_space<hbm>>) dst(%arg22 : memref<16x128xf32, #tpu.memory_space<vmem>>)
    %dma_wait3A_35 = arith.constant 0 : i32
    %dma_wait3A_36 = arith.constant 0 : i32
    %dma_wait3A_37 = tpu.memref_slice %arg3[%dma_wait3A_35, %dma_wait3A_36] : memref<10000x256xf32, #tpu.memory_space<hbm>> -> memref<10000x256xf32, #tpu.memory_space<hbm>>
    tpu.wait_indirect_dma semaphore(%arg24 : memref<!tpu.dma_semaphore, #tpu.memory_space<semaphore_mem>>) src(%dma_wait3A_37 : memref<10000x256xf32, #tpu.memory_space<hbm>>) dst(%arg23 : memref<16x256xf32, #tpu.memory_space<vmem>>)
    "tpu.region"() ({
      %run_scoped3A = tpu.sem_alloc : memref<!tpu.dma_semaphore, #tpu.memory_space<semaphore_mem>>
      %dma_start3A_38 = arith.constant 0 : i32
      %dma_start3A_39 = tpu.memref_slice %arg6[%add3A_25, %dma_start3A_38] : memref<320000x128xf32, #tpu.memory_space<hbm>> -> memref<16x128xf32, #tpu.memory_space<hbm>>
      %dma_start3A_40 = arith.constant 0 : i32
      %dma_start3A_41 = tpu.memref_slice %arg6[%add3A_25, %dma_start3A_40] : memref<320000x128xf32, #tpu.memory_space<hbm>> -> memref<16x128xf32, #tpu.memory_space<hbm>>
      tpu.enqueue_dma source(%arg22 : memref<16x128xf32, #tpu.memory_space<vmem>>) target(%dma_start3A_41 : memref<16x128xf32, #tpu.memory_space<hbm>>) target_semaphore(%run_scoped3A : memref<!tpu.dma_semaphore, #tpu.memory_space<semaphore_mem>>)
      %dma_wait3A_42 = arith.constant 0 : i32
      %dma_wait3A_43 = tpu.memref_slice %arg6[%add3A_25, %dma_wait3A_42] : memref<320000x128xf32, #tpu.memory_space<hbm>> -> memref<16x128xf32, #tpu.memory_space<hbm>>
      %dma_wait3A_44 = arith.constant 0 : i32
      %dma_wait3A_45 = tpu.memref_slice %arg6[%add3A_25, %dma_wait3A_44] : memref<320000x128xf32, #tpu.memory_space<hbm>> -> memref<16x128xf32, #tpu.memory_space<hbm>>
      tpu.wait_dma2 semaphore(%run_scoped3A : memref<!tpu.dma_semaphore, #tpu.memory_space<semaphore_mem>>) src(%arg22 : memref<16x128xf32, #tpu.memory_space<vmem>>) dst(%dma_wait3A_45 : memref<16x128xf32, #tpu.memory_space<hbm>>)
      tpu.yield
    }) : () -> ()
    "tpu.region"() ({
      %run_scoped3A = tpu.sem_alloc : memref<!tpu.dma_semaphore, #tpu.memory_space<semaphore_mem>>
      %dma_start3A_38 = arith.constant 0 : i32
      %dma_start3A_39 = tpu.memref_slice %arg7[%add3A_25, %dma_start3A_38] : memref<320000x256xf32, #tpu.memory_space<hbm>> -> memref<16x256xf32, #tpu.memory_space<hbm>>
      %dma_start3A_40 = arith.constant 0 : i32
      %dma_start3A_41 = tpu.memref_slice %arg7[%add3A_25, %dma_start3A_40] : memref<320000x256xf32, #tpu.memory_space<hbm>> -> memref<16x256xf32, #tpu.memory_space<hbm>>
      tpu.enqueue_dma source(%arg23 : memref<16x256xf32, #tpu.memory_space<vmem>>) target(%dma_start3A_41 : memref<16x256xf32, #tpu.memory_space<hbm>>) target_semaphore(%run_scoped3A : memref<!tpu.dma_semaphore, #tpu.memory_space<semaphore_mem>>)
      %dma_wait3A_42 = arith.constant 0 : i32
      %dma_wait3A_43 = tpu.memref_slice %arg7[%add3A_25, %dma_wait3A_42] : memref<320000x256xf32, #tpu.memory_space<hbm>> -> memref<16x256xf32, #tpu.memory_space<hbm>>
      %dma_wait3A_44 = arith.constant 0 : i32
      %dma_wait3A_45 = tpu.memref_slice %arg7[%add3A_25, %dma_wait3A_44] : memref<320000x256xf32, #tpu.memory_space<hbm>> -> memref<16x256xf32, #tpu.memory_space<hbm>>
      tpu.wait_dma2 semaphore(%run_scoped3A : memref<!tpu.dma_semaphore, #tpu.memory_space<semaphore_mem>>) src(%arg23 : memref<16x256xf32, #tpu.memory_space<vmem>>) dst(%dma_wait3A_45 : memref<16x256xf32, #tpu.memory_space<hbm>>)
      tpu.yield
    }) : () -> ()
    return
  }
}

#map = affine_map<(d0, d1) -> (0, 0)>
#map1 = affine_map<(d0, d1) -> (0)>
module attributes {stable_mosaic.version = 14 : i64} {
  func.func @_scatter_body(%arg0: i32, %arg1: i32, %arg2: memref<320000x128xf32, #tpu.memory_space<hbm>>, %arg3: memref<320000x128xf32, #tpu.memory_space<hbm>>, %arg4: memref<320000xi32, #tpu.memory_space<hbm>>, %arg5: memref<10000x128xf32, #tpu.memory_space<hbm>>, %arg6: memref<10000x128xf32, #tpu.memory_space<hbm>>, %arg7: memref<10000x128xf32, #tpu.memory_space<hbm>>, %arg8: memref<10000x128xf32, #tpu.memory_space<vmem_shared>>, %arg9: memref<128xi32, #tpu.memory_space<vmem>>, %arg10: memref<128x128xf32, #tpu.memory_space<vmem>>, %arg11: memref<!tpu.dma_semaphore, #tpu.memory_space<semaphore_mem>>, %arg12: memref<128xi32, #tpu.memory_space<vmem>>, %arg13: memref<128x128xf32, #tpu.memory_space<vmem>>, %arg14: memref<!tpu.dma_semaphore, #tpu.memory_space<semaphore_mem>>, %arg15: memref<32xi32, #tpu.memory_space<vmem>>, %arg16: memref<32x128xf32, #tpu.memory_space<vmem>>, %arg17: memref<!tpu.dma_semaphore, #tpu.memory_space<semaphore_mem>>) attributes {dimension_semantics = [#tpu.dimension_semantics<core_parallel>, #tpu.dimension_semantics<subcore_parallel>], iteration_bounds = array<i64: 2, 16>, scalar_prefetch = 0 : i64, scratch_operands = 10 : i64, tpu.core_type = #tpu.core_type<sc_vector_subcore>, window_params = [{transform_indices = #map}, {transform_indices = #map}, {transform_indices = #map1}, {transform_indices = #map}, {transform_indices = #map}, {transform_indices = #map}]} {
    %mul3A = arith.constant 20000 : i32
    %mul3A_0 = arith.muli %arg1, %mul3A : i32
    %eq3A = arith.constant 0 : i32
    %eq3A_1 = arith.cmpi eq, %arg1, %eq3A : i32
    %convert_element_type3A = arith.extui %eq3A_1 : i1 to i32
    %cond3A = arith.constant 0 : i32
    %cond3A_2 = arith.cmpi ne, %convert_element_type3A, %cond3A : i32
    scf.if %cond3A_2 {
      "tpu.region"() ({
        %run_scoped3A = tpu.sem_alloc : memref<!tpu.dma_semaphore, #tpu.memory_space<semaphore_mem>>
        tpu.enqueue_dma source(%arg5 : memref<10000x128xf32, #tpu.memory_space<hbm>>) target(%arg8 : memref<10000x128xf32, #tpu.memory_space<vmem_shared>>) target_semaphore(%run_scoped3A : memref<!tpu.dma_semaphore, #tpu.memory_space<semaphore_mem>>)
        tpu.wait_dma2 semaphore(%run_scoped3A : memref<!tpu.dma_semaphore, #tpu.memory_space<semaphore_mem>>) src(%arg5 : memref<10000x128xf32, #tpu.memory_space<hbm>>) dst(%arg8 : memref<10000x128xf32, #tpu.memory_space<vmem_shared>>)
        tpu.yield
      }) : () -> ()
    } else {
    }
    %barrier3A = arith.constant 0 : index
    tpu.barrier barrier_id(%barrier3A)
    %add3A = arith.constant 0 : i32
    %add3A_3 = arith.addi %mul3A_0, %add3A : i32
    "tpu.region"() ({
      %run_scoped3A = tpu.sem_alloc : memref<!tpu.dma_semaphore, #tpu.memory_space<semaphore_mem>>
      %dma_start3A = tpu.memref_slice %arg4[%add3A_3] : memref<320000xi32, #tpu.memory_space<hbm>> -> memref<128xi32, #tpu.memory_space<hbm>>
      %dma_start3A_47 = tpu.memref_slice %arg4[%add3A_3] : memref<320000xi32, #tpu.memory_space<hbm>> -> memref<128xi32, #tpu.memory_space<hbm>>
      tpu.enqueue_dma source(%dma_start3A_47 : memref<128xi32, #tpu.memory_space<hbm>>) target(%arg9 : memref<128xi32, #tpu.memory_space<vmem>>) target_semaphore(%run_scoped3A : memref<!tpu.dma_semaphore, #tpu.memory_space<semaphore_mem>>)
      %dma_wait3A = tpu.memref_slice %arg4[%add3A_3] : memref<320000xi32, #tpu.memory_space<hbm>> -> memref<128xi32, #tpu.memory_space<hbm>>
      %dma_wait3A_48 = tpu.memref_slice %arg4[%add3A_3] : memref<320000xi32, #tpu.memory_space<hbm>> -> memref<128xi32, #tpu.memory_space<hbm>>
      tpu.wait_dma2 semaphore(%run_scoped3A : memref<!tpu.dma_semaphore, #tpu.memory_space<semaphore_mem>>) src(%dma_wait3A_48 : memref<128xi32, #tpu.memory_space<hbm>>) dst(%arg9 : memref<128xi32, #tpu.memory_space<vmem>>)
      tpu.yield
    }) : () -> ()
    %eq3A_4 = arith.constant 0 : i32
    %eq3A_5 = arith.cmpi eq, %arg0, %eq3A_4 : i32
    %convert_element_type3A_6 = arith.extui %eq3A_5 : i1 to i32
    %cond3A_7 = arith.constant 0 : i32
    %cond3A_8 = arith.cmpi ne, %convert_element_type3A_6, %cond3A_7 : i32
    scf.if %cond3A_8 {
      %dma_start3A = arith.constant 0 : i32
      %dma_start3A_47 = tpu.memref_slice %arg2[%add3A_3, %dma_start3A] : memref<320000x128xf32, #tpu.memory_space<hbm>> -> memref<128x128xf32, #tpu.memory_space<hbm>>
      %dma_start3A_48 = arith.constant 0 : i32
      %dma_start3A_49 = tpu.memref_slice %arg2[%add3A_3, %dma_start3A_48] : memref<320000x128xf32, #tpu.memory_space<hbm>> -> memref<128x128xf32, #tpu.memory_space<hbm>>
      tpu.enqueue_dma source(%dma_start3A_49 : memref<128x128xf32, #tpu.memory_space<hbm>>) target(%arg10 : memref<128x128xf32, #tpu.memory_space<vmem>>) target_semaphore(%arg11 : memref<!tpu.dma_semaphore, #tpu.memory_space<semaphore_mem>>)
    } else {
    }
    %eq3A_9 = arith.constant 1 : i32
    %eq3A_10 = arith.cmpi eq, %arg0, %eq3A_9 : i32
    %convert_element_type3A_11 = arith.extui %eq3A_10 : i1 to i32
    %cond3A_12 = arith.constant 0 : i32
    %cond3A_13 = arith.cmpi ne, %convert_element_type3A_11, %cond3A_12 : i32
    scf.if %cond3A_13 {
      %dma_start3A = arith.constant 0 : i32
      %dma_start3A_47 = tpu.memref_slice %arg3[%add3A_3, %dma_start3A] : memref<320000x128xf32, #tpu.memory_space<hbm>> -> memref<128x128xf32, #tpu.memory_space<hbm>>
      %dma_start3A_48 = arith.constant 0 : i32
      %dma_start3A_49 = tpu.memref_slice %arg3[%add3A_3, %dma_start3A_48] : memref<320000x128xf32, #tpu.memory_space<hbm>> -> memref<128x128xf32, #tpu.memory_space<hbm>>
      tpu.enqueue_dma source(%dma_start3A_49 : memref<128x128xf32, #tpu.memory_space<hbm>>) target(%arg10 : memref<128x128xf32, #tpu.memory_space<vmem>>) target_semaphore(%arg11 : memref<!tpu.dma_semaphore, #tpu.memory_space<semaphore_mem>>)
    } else {
    }
    %scan3A = arith.constant 0 : i32
    %scan3A_14 = arith.constant 0 : i32
    %scan3A_15 = arith.constant 78 : i32
    %scan3A_16 = arith.addi %scan3A_14, %scan3A_15 : i32
    %scan3A_17 = arith.constant 1 : i32
    scf.for %scan3A_47 = %scan3A_14 to %scan3A_16 step %scan3A_17  : i32 {
      %mul3A_48 = arith.constant 2 : i32
      %mul3A_49 = arith.muli %scan3A_47, %mul3A_48 : i32
      %add3A_50 = arith.constant 0 : i32
      %add3A_51 = arith.addi %mul3A_49, %add3A_50 : i32
      %mul3A_52 = arith.constant 128 : i32
      %mul3A_53 = arith.muli %add3A_51, %mul3A_52 : i32
      %add3A_54 = arith.addi %mul3A_0, %mul3A_53 : i32
      %dma_wait3A = arith.constant 0 : i32
      %dma_wait3A_55 = tpu.memref_slice %arg2[%add3A_54, %dma_wait3A] : memref<320000x128xf32, #tpu.memory_space<hbm>> -> memref<128x128xf32, #tpu.memory_space<hbm>>
      %dma_wait3A_56 = arith.constant 0 : i32
      %dma_wait3A_57 = tpu.memref_slice %arg2[%add3A_54, %dma_wait3A_56] : memref<320000x128xf32, #tpu.memory_space<hbm>> -> memref<128x128xf32, #tpu.memory_space<hbm>>
      tpu.wait_dma2 semaphore(%arg11 : memref<!tpu.dma_semaphore, #tpu.memory_space<semaphore_mem>>) src(%dma_wait3A_57 : memref<128x128xf32, #tpu.memory_space<hbm>>) dst(%arg10 : memref<128x128xf32, #tpu.memory_space<vmem>>)
      %add3A_58 = arith.constant 1 : i32
      %add3A_59 = arith.addi %add3A_51, %add3A_58 : i32
      %lt3A = arith.constant 156 : i32
      %lt3A_60 = arith.cmpi slt, %add3A_59, %lt3A : i32
      %convert_element_type3A_61 = arith.extui %lt3A_60 : i1 to i32
      %cond3A_62 = arith.constant 0 : i32
      %cond3A_63 = arith.cmpi ne, %convert_element_type3A_61, %cond3A_62 : i32
      scf.if %cond3A_63 {
        %add3A_82 = arith.constant 1 : i32
        %add3A_83 = arith.addi %add3A_51, %add3A_82 : i32
        %mul3A_84 = arith.constant 128 : i32
        %mul3A_85 = arith.muli %add3A_83, %mul3A_84 : i32
        %add3A_86 = arith.addi %mul3A_0, %mul3A_85 : i32
        "tpu.region"() ({
          %run_scoped3A = tpu.sem_alloc : memref<!tpu.dma_semaphore, #tpu.memory_space<semaphore_mem>>
          %dma_start3A = tpu.memref_slice %arg4[%add3A_86] : memref<320000xi32, #tpu.memory_space<hbm>> -> memref<128xi32, #tpu.memory_space<hbm>>
          %dma_start3A_97 = tpu.memref_slice %arg4[%add3A_86] : memref<320000xi32, #tpu.memory_space<hbm>> -> memref<128xi32, #tpu.memory_space<hbm>>
          tpu.enqueue_dma source(%dma_start3A_97 : memref<128xi32, #tpu.memory_space<hbm>>) target(%arg12 : memref<128xi32, #tpu.memory_space<vmem>>) target_semaphore(%run_scoped3A : memref<!tpu.dma_semaphore, #tpu.memory_space<semaphore_mem>>)
          %dma_wait3A_98 = tpu.memref_slice %arg4[%add3A_86] : memref<320000xi32, #tpu.memory_space<hbm>> -> memref<128xi32, #tpu.memory_space<hbm>>
          %dma_wait3A_99 = tpu.memref_slice %arg4[%add3A_86] : memref<320000xi32, #tpu.memory_space<hbm>> -> memref<128xi32, #tpu.memory_space<hbm>>
          tpu.wait_dma2 semaphore(%run_scoped3A : memref<!tpu.dma_semaphore, #tpu.memory_space<semaphore_mem>>) src(%dma_wait3A_99 : memref<128xi32, #tpu.memory_space<hbm>>) dst(%arg12 : memref<128xi32, #tpu.memory_space<vmem>>)
          tpu.yield
        }) : () -> ()
        %eq3A_87 = arith.constant 0 : i32
        %eq3A_88 = arith.cmpi eq, %arg0, %eq3A_87 : i32
        %convert_element_type3A_89 = arith.extui %eq3A_88 : i1 to i32
        %cond3A_90 = arith.constant 0 : i32
        %cond3A_91 = arith.cmpi ne, %convert_element_type3A_89, %cond3A_90 : i32
        scf.if %cond3A_91 {
          %dma_start3A = arith.constant 0 : i32
          %dma_start3A_97 = tpu.memref_slice %arg2[%add3A_86, %dma_start3A] : memref<320000x128xf32, #tpu.memory_space<hbm>> -> memref<128x128xf32, #tpu.memory_space<hbm>>
          %dma_start3A_98 = arith.constant 0 : i32
          %dma_start3A_99 = tpu.memref_slice %arg2[%add3A_86, %dma_start3A_98] : memref<320000x128xf32, #tpu.memory_space<hbm>> -> memref<128x128xf32, #tpu.memory_space<hbm>>
          tpu.enqueue_dma source(%dma_start3A_99 : memref<128x128xf32, #tpu.memory_space<hbm>>) target(%arg13 : memref<128x128xf32, #tpu.memory_space<vmem>>) target_semaphore(%arg14 : memref<!tpu.dma_semaphore, #tpu.memory_space<semaphore_mem>>)
        } else {
        }
        %eq3A_92 = arith.constant 1 : i32
        %eq3A_93 = arith.cmpi eq, %arg0, %eq3A_92 : i32
        %convert_element_type3A_94 = arith.extui %eq3A_93 : i1 to i32
        %cond3A_95 = arith.constant 0 : i32
        %cond3A_96 = arith.cmpi ne, %convert_element_type3A_94, %cond3A_95 : i32
        scf.if %cond3A_96 {
          %dma_start3A = arith.constant 0 : i32
          %dma_start3A_97 = tpu.memref_slice %arg3[%add3A_86, %dma_start3A] : memref<320000x128xf32, #tpu.memory_space<hbm>> -> memref<128x128xf32, #tpu.memory_space<hbm>>
          %dma_start3A_98 = arith.constant 0 : i32
          %dma_start3A_99 = tpu.memref_slice %arg3[%add3A_86, %dma_start3A_98] : memref<320000x128xf32, #tpu.memory_space<hbm>> -> memref<128x128xf32, #tpu.memory_space<hbm>>
          tpu.enqueue_dma source(%dma_start3A_99 : memref<128x128xf32, #tpu.memory_space<hbm>>) target(%arg13 : memref<128x128xf32, #tpu.memory_space<vmem>>) target_semaphore(%arg14 : memref<!tpu.dma_semaphore, #tpu.memory_space<semaphore_mem>>)
        } else {
        }
      } else {
      }
      "tpu.region"() ({
        %run_scoped3A = tpu.sem_alloc : memref<!tpu.dma_semaphore, #tpu.memory_space<semaphore_mem>>
        %dma_start3A = arith.constant 0 : i32
        %dma_start3A_82 = arith.constant 0 : i32
        %dma_start3A_83 = tpu.memref_slice %arg8[%dma_start3A, %dma_start3A_82] : memref<10000x128xf32, #tpu.memory_space<vmem_shared>> -> memref<10000x128xf32, #tpu.memory_space<vmem_shared>>
        tpu.enqueue_indirect_dma source(%arg10 : memref<128x128xf32, #tpu.memory_space<vmem>>) target(%dma_start3A_83 : memref<10000x128xf32, #tpu.memory_space<vmem_shared>>) offsets(%arg9 : memref<128xi32, #tpu.memory_space<vmem>>) semaphore(%run_scoped3A : memref<!tpu.dma_semaphore, #tpu.memory_space<semaphore_mem>>) {add = true}
        %dma_wait3A_84 = arith.constant 0 : i32
        %dma_wait3A_85 = arith.constant 0 : i32
        %dma_wait3A_86 = tpu.memref_slice %arg8[%dma_wait3A_84, %dma_wait3A_85] : memref<10000x128xf32, #tpu.memory_space<vmem_shared>> -> memref<10000x128xf32, #tpu.memory_space<vmem_shared>>
        tpu.wait_indirect_dma semaphore(%run_scoped3A : memref<!tpu.dma_semaphore, #tpu.memory_space<semaphore_mem>>) src(%arg10 : memref<128x128xf32, #tpu.memory_space<vmem>>) dst(%dma_wait3A_86 : memref<10000x128xf32, #tpu.memory_space<vmem_shared>>)
        tpu.yield
      }) : () -> ()
      %mul3A_64 = arith.constant 2 : i32
      %mul3A_65 = arith.muli %scan3A_47, %mul3A_64 : i32
      %add3A_66 = arith.constant 1 : i32
      %add3A_67 = arith.addi %mul3A_65, %add3A_66 : i32
      %mul3A_68 = arith.constant 128 : i32
      %mul3A_69 = arith.muli %add3A_67, %mul3A_68 : i32
      %add3A_70 = arith.addi %mul3A_0, %mul3A_69 : i32
      %dma_wait3A_71 = arith.constant 0 : i32
      %dma_wait3A_72 = tpu.memref_slice %arg2[%add3A_70, %dma_wait3A_71] : memref<320000x128xf32, #tpu.memory_space<hbm>> -> memref<128x128xf32, #tpu.memory_space<hbm>>
      %dma_wait3A_73 = arith.constant 0 : i32
      %dma_wait3A_74 = tpu.memref_slice %arg2[%add3A_70, %dma_wait3A_73] : memref<320000x128xf32, #tpu.memory_space<hbm>> -> memref<128x128xf32, #tpu.memory_space<hbm>>
      tpu.wait_dma2 semaphore(%arg14 : memref<!tpu.dma_semaphore, #tpu.memory_space<semaphore_mem>>) src(%dma_wait3A_74 : memref<128x128xf32, #tpu.memory_space<hbm>>) dst(%arg13 : memref<128x128xf32, #tpu.memory_space<vmem>>)
      %add3A_75 = arith.constant 1 : i32
      %add3A_76 = arith.addi %add3A_67, %add3A_75 : i32
      %lt3A_77 = arith.constant 156 : i32
      %lt3A_78 = arith.cmpi slt, %add3A_76, %lt3A_77 : i32
      %convert_element_type3A_79 = arith.extui %lt3A_78 : i1 to i32
      %cond3A_80 = arith.constant 0 : i32
      %cond3A_81 = arith.cmpi ne, %convert_element_type3A_79, %cond3A_80 : i32
      scf.if %cond3A_81 {
        %add3A_82 = arith.constant 1 : i32
        %add3A_83 = arith.addi %add3A_67, %add3A_82 : i32
        %mul3A_84 = arith.constant 128 : i32
        %mul3A_85 = arith.muli %add3A_83, %mul3A_84 : i32
        %add3A_86 = arith.addi %mul3A_0, %mul3A_85 : i32
        "tpu.region"() ({
          %run_scoped3A = tpu.sem_alloc : memref<!tpu.dma_semaphore, #tpu.memory_space<semaphore_mem>>
          %dma_start3A = tpu.memref_slice %arg4[%add3A_86] : memref<320000xi32, #tpu.memory_space<hbm>> -> memref<128xi32, #tpu.memory_space<hbm>>
          %dma_start3A_97 = tpu.memref_slice %arg4[%add3A_86] : memref<320000xi32, #tpu.memory_space<hbm>> -> memref<128xi32, #tpu.memory_space<hbm>>
          tpu.enqueue_dma source(%dma_start3A_97 : memref<128xi32, #tpu.memory_space<hbm>>) target(%arg9 : memref<128xi32, #tpu.memory_space<vmem>>) target_semaphore(%run_scoped3A : memref<!tpu.dma_semaphore, #tpu.memory_space<semaphore_mem>>)
          %dma_wait3A_98 = tpu.memref_slice %arg4[%add3A_86] : memref<320000xi32, #tpu.memory_space<hbm>> -> memref<128xi32, #tpu.memory_space<hbm>>
          %dma_wait3A_99 = tpu.memref_slice %arg4[%add3A_86] : memref<320000xi32, #tpu.memory_space<hbm>> -> memref<128xi32, #tpu.memory_space<hbm>>
          tpu.wait_dma2 semaphore(%run_scoped3A : memref<!tpu.dma_semaphore, #tpu.memory_space<semaphore_mem>>) src(%dma_wait3A_99 : memref<128xi32, #tpu.memory_space<hbm>>) dst(%arg9 : memref<128xi32, #tpu.memory_space<vmem>>)
          tpu.yield
        }) : () -> ()
        %eq3A_87 = arith.constant 0 : i32
        %eq3A_88 = arith.cmpi eq, %arg0, %eq3A_87 : i32
        %convert_element_type3A_89 = arith.extui %eq3A_88 : i1 to i32
        %cond3A_90 = arith.constant 0 : i32
        %cond3A_91 = arith.cmpi ne, %convert_element_type3A_89, %cond3A_90 : i32
        scf.if %cond3A_91 {
          %dma_start3A = arith.constant 0 : i32
          %dma_start3A_97 = tpu.memref_slice %arg2[%add3A_86, %dma_start3A] : memref<320000x128xf32, #tpu.memory_space<hbm>> -> memref<128x128xf32, #tpu.memory_space<hbm>>
          %dma_start3A_98 = arith.constant 0 : i32
          %dma_start3A_99 = tpu.memref_slice %arg2[%add3A_86, %dma_start3A_98] : memref<320000x128xf32, #tpu.memory_space<hbm>> -> memref<128x128xf32, #tpu.memory_space<hbm>>
          tpu.enqueue_dma source(%dma_start3A_99 : memref<128x128xf32, #tpu.memory_space<hbm>>) target(%arg10 : memref<128x128xf32, #tpu.memory_space<vmem>>) target_semaphore(%arg11 : memref<!tpu.dma_semaphore, #tpu.memory_space<semaphore_mem>>)
        } else {
        }
        %eq3A_92 = arith.constant 1 : i32
        %eq3A_93 = arith.cmpi eq, %arg0, %eq3A_92 : i32
        %convert_element_type3A_94 = arith.extui %eq3A_93 : i1 to i32
        %cond3A_95 = arith.constant 0 : i32
        %cond3A_96 = arith.cmpi ne, %convert_element_type3A_94, %cond3A_95 : i32
        scf.if %cond3A_96 {
          %dma_start3A = arith.constant 0 : i32
          %dma_start3A_97 = tpu.memref_slice %arg3[%add3A_86, %dma_start3A] : memref<320000x128xf32, #tpu.memory_space<hbm>> -> memref<128x128xf32, #tpu.memory_space<hbm>>
          %dma_start3A_98 = arith.constant 0 : i32
          %dma_start3A_99 = tpu.memref_slice %arg3[%add3A_86, %dma_start3A_98] : memref<320000x128xf32, #tpu.memory_space<hbm>> -> memref<128x128xf32, #tpu.memory_space<hbm>>
          tpu.enqueue_dma source(%dma_start3A_99 : memref<128x128xf32, #tpu.memory_space<hbm>>) target(%arg10 : memref<128x128xf32, #tpu.memory_space<vmem>>) target_semaphore(%arg11 : memref<!tpu.dma_semaphore, #tpu.memory_space<semaphore_mem>>)
        } else {
        }
      } else {
      }
      "tpu.region"() ({
        %run_scoped3A = tpu.sem_alloc : memref<!tpu.dma_semaphore, #tpu.memory_space<semaphore_mem>>
        %dma_start3A = arith.constant 0 : i32
        %dma_start3A_82 = arith.constant 0 : i32
        %dma_start3A_83 = tpu.memref_slice %arg8[%dma_start3A, %dma_start3A_82] : memref<10000x128xf32, #tpu.memory_space<vmem_shared>> -> memref<10000x128xf32, #tpu.memory_space<vmem_shared>>
        tpu.enqueue_indirect_dma source(%arg13 : memref<128x128xf32, #tpu.memory_space<vmem>>) target(%dma_start3A_83 : memref<10000x128xf32, #tpu.memory_space<vmem_shared>>) offsets(%arg12 : memref<128xi32, #tpu.memory_space<vmem>>) semaphore(%run_scoped3A : memref<!tpu.dma_semaphore, #tpu.memory_space<semaphore_mem>>) {add = true}
        %dma_wait3A_84 = arith.constant 0 : i32
        %dma_wait3A_85 = arith.constant 0 : i32
        %dma_wait3A_86 = tpu.memref_slice %arg8[%dma_wait3A_84, %dma_wait3A_85] : memref<10000x128xf32, #tpu.memory_space<vmem_shared>> -> memref<10000x128xf32, #tpu.memory_space<vmem_shared>>
        tpu.wait_indirect_dma semaphore(%run_scoped3A : memref<!tpu.dma_semaphore, #tpu.memory_space<semaphore_mem>>) src(%arg13 : memref<128x128xf32, #tpu.memory_space<vmem>>) dst(%dma_wait3A_86 : memref<10000x128xf32, #tpu.memory_space<vmem_shared>>)
        tpu.yield
      }) : () -> ()
    }
    %scan3A_18 = arith.constant 78 : i32
    %add3A_19 = arith.constant 19968 : i32
    %add3A_20 = arith.addi %mul3A_0, %add3A_19 : i32
    "tpu.region"() ({
      %run_scoped3A = tpu.sem_alloc : memref<!tpu.dma_semaphore, #tpu.memory_space<semaphore_mem>>
      %dma_start3A = tpu.memref_slice %arg4[%add3A_20] : memref<320000xi32, #tpu.memory_space<hbm>> -> memref<32xi32, #tpu.memory_space<hbm>>
      %dma_start3A_47 = tpu.memref_slice %arg4[%add3A_20] : memref<320000xi32, #tpu.memory_space<hbm>> -> memref<32xi32, #tpu.memory_space<hbm>>
      tpu.enqueue_dma source(%dma_start3A_47 : memref<32xi32, #tpu.memory_space<hbm>>) target(%arg15 : memref<32xi32, #tpu.memory_space<vmem>>) target_semaphore(%run_scoped3A : memref<!tpu.dma_semaphore, #tpu.memory_space<semaphore_mem>>)
      %dma_wait3A = tpu.memref_slice %arg4[%add3A_20] : memref<320000xi32, #tpu.memory_space<hbm>> -> memref<32xi32, #tpu.memory_space<hbm>>
      %dma_wait3A_48 = tpu.memref_slice %arg4[%add3A_20] : memref<320000xi32, #tpu.memory_space<hbm>> -> memref<32xi32, #tpu.memory_space<hbm>>
      tpu.wait_dma2 semaphore(%run_scoped3A : memref<!tpu.dma_semaphore, #tpu.memory_space<semaphore_mem>>) src(%dma_wait3A_48 : memref<32xi32, #tpu.memory_space<hbm>>) dst(%arg15 : memref<32xi32, #tpu.memory_space<vmem>>)
      tpu.yield
    }) : () -> ()
    %eq3A_21 = arith.constant 0 : i32
    %eq3A_22 = arith.cmpi eq, %arg0, %eq3A_21 : i32
    %convert_element_type3A_23 = arith.extui %eq3A_22 : i1 to i32
    %cond3A_24 = arith.constant 0 : i32
    %cond3A_25 = arith.cmpi ne, %convert_element_type3A_23, %cond3A_24 : i32
    scf.if %cond3A_25 {
      "tpu.region"() ({
        %run_scoped3A = tpu.sem_alloc : memref<!tpu.dma_semaphore, #tpu.memory_space<semaphore_mem>>
        %dma_start3A = arith.constant 0 : i32
        %dma_start3A_47 = tpu.memref_slice %arg2[%add3A_20, %dma_start3A] : memref<320000x128xf32, #tpu.memory_space<hbm>> -> memref<32x128xf32, #tpu.memory_space<hbm>>
        %dma_start3A_48 = arith.constant 0 : i32
        %dma_start3A_49 = tpu.memref_slice %arg2[%add3A_20, %dma_start3A_48] : memref<320000x128xf32, #tpu.memory_space<hbm>> -> memref<32x128xf32, #tpu.memory_space<hbm>>
        tpu.enqueue_dma source(%dma_start3A_49 : memref<32x128xf32, #tpu.memory_space<hbm>>) target(%arg16 : memref<32x128xf32, #tpu.memory_space<vmem>>) target_semaphore(%run_scoped3A : memref<!tpu.dma_semaphore, #tpu.memory_space<semaphore_mem>>)
        %dma_wait3A = arith.constant 0 : i32
        %dma_wait3A_50 = tpu.memref_slice %arg2[%add3A_20, %dma_wait3A] : memref<320000x128xf32, #tpu.memory_space<hbm>> -> memref<32x128xf32, #tpu.memory_space<hbm>>
        %dma_wait3A_51 = arith.constant 0 : i32
        %dma_wait3A_52 = tpu.memref_slice %arg2[%add3A_20, %dma_wait3A_51] : memref<320000x128xf32, #tpu.memory_space<hbm>> -> memref<32x128xf32, #tpu.memory_space<hbm>>
        tpu.wait_dma2 semaphore(%run_scoped3A : memref<!tpu.dma_semaphore, #tpu.memory_space<semaphore_mem>>) src(%dma_wait3A_52 : memref<32x128xf32, #tpu.memory_space<hbm>>) dst(%arg16 : memref<32x128xf32, #tpu.memory_space<vmem>>)
        tpu.yield
      }) : () -> ()
    } else {
    }
    %eq3A_26 = arith.constant 1 : i32
    %eq3A_27 = arith.cmpi eq, %arg0, %eq3A_26 : i32
    %convert_element_type3A_28 = arith.extui %eq3A_27 : i1 to i32
    %cond3A_29 = arith.constant 0 : i32
    %cond3A_30 = arith.cmpi ne, %convert_element_type3A_28, %cond3A_29 : i32
    scf.if %cond3A_30 {
      "tpu.region"() ({
        %run_scoped3A = tpu.sem_alloc : memref<!tpu.dma_semaphore, #tpu.memory_space<semaphore_mem>>
        %dma_start3A = arith.constant 0 : i32
        %dma_start3A_47 = tpu.memref_slice %arg3[%add3A_20, %dma_start3A] : memref<320000x128xf32, #tpu.memory_space<hbm>> -> memref<32x128xf32, #tpu.memory_space<hbm>>
        %dma_start3A_48 = arith.constant 0 : i32
        %dma_start3A_49 = tpu.memref_slice %arg3[%add3A_20, %dma_start3A_48] : memref<320000x128xf32, #tpu.memory_space<hbm>> -> memref<32x128xf32, #tpu.memory_space<hbm>>
        tpu.enqueue_dma source(%dma_start3A_49 : memref<32x128xf32, #tpu.memory_space<hbm>>) target(%arg16 : memref<32x128xf32, #tpu.memory_space<vmem>>) target_semaphore(%run_scoped3A : memref<!tpu.dma_semaphore, #tpu.memory_space<semaphore_mem>>)
        %dma_wait3A = arith.constant 0 : i32
        %dma_wait3A_50 = tpu.memref_slice %arg3[%add3A_20, %dma_wait3A] : memref<320000x128xf32, #tpu.memory_space<hbm>> -> memref<32x128xf32, #tpu.memory_space<hbm>>
        %dma_wait3A_51 = arith.constant 0 : i32
        %dma_wait3A_52 = tpu.memref_slice %arg3[%add3A_20, %dma_wait3A_51] : memref<320000x128xf32, #tpu.memory_space<hbm>> -> memref<32x128xf32, #tpu.memory_space<hbm>>
        tpu.wait_dma2 semaphore(%run_scoped3A : memref<!tpu.dma_semaphore, #tpu.memory_space<semaphore_mem>>) src(%dma_wait3A_52 : memref<32x128xf32, #tpu.memory_space<hbm>>) dst(%arg16 : memref<32x128xf32, #tpu.memory_space<vmem>>)
        tpu.yield
      }) : () -> ()
    } else {
    }
    "tpu.region"() ({
      %run_scoped3A = tpu.sem_alloc : memref<!tpu.dma_semaphore, #tpu.memory_space<semaphore_mem>>
      %dma_start3A = arith.constant 0 : i32
      %dma_start3A_47 = arith.constant 0 : i32
      %dma_start3A_48 = tpu.memref_slice %arg8[%dma_start3A, %dma_start3A_47] : memref<10000x128xf32, #tpu.memory_space<vmem_shared>> -> memref<10000x128xf32, #tpu.memory_space<vmem_shared>>
      tpu.enqueue_indirect_dma source(%arg16 : memref<32x128xf32, #tpu.memory_space<vmem>>) target(%dma_start3A_48 : memref<10000x128xf32, #tpu.memory_space<vmem_shared>>) offsets(%arg15 : memref<32xi32, #tpu.memory_space<vmem>>) semaphore(%run_scoped3A : memref<!tpu.dma_semaphore, #tpu.memory_space<semaphore_mem>>) {add = true}
      %dma_wait3A = arith.constant 0 : i32
      %dma_wait3A_49 = arith.constant 0 : i32
      %dma_wait3A_50 = tpu.memref_slice %arg8[%dma_wait3A, %dma_wait3A_49] : memref<10000x128xf32, #tpu.memory_space<vmem_shared>> -> memref<10000x128xf32, #tpu.memory_space<vmem_shared>>
      tpu.wait_indirect_dma semaphore(%run_scoped3A : memref<!tpu.dma_semaphore, #tpu.memory_space<semaphore_mem>>) src(%arg16 : memref<32x128xf32, #tpu.memory_space<vmem>>) dst(%dma_wait3A_50 : memref<10000x128xf32, #tpu.memory_space<vmem_shared>>)
      tpu.yield
    }) : () -> ()
    %barrier3A_31 = arith.constant 0 : index
    tpu.barrier barrier_id(%barrier3A_31)
    %eq3A_32 = arith.constant 0 : i32
    %eq3A_33 = arith.cmpi eq, %arg1, %eq3A_32 : i32
    %eq3A_34 = arith.constant 0 : i32
    %eq3A_35 = arith.cmpi eq, %arg0, %eq3A_34 : i32
    %and3A = arith.andi %eq3A_33, %eq3A_35 : i1
    %convert_element_type3A_36 = arith.extui %and3A : i1 to i32
    %cond3A_37 = arith.constant 0 : i32
    %cond3A_38 = arith.cmpi ne, %convert_element_type3A_36, %cond3A_37 : i32
    scf.if %cond3A_38 {
      "tpu.region"() ({
        %run_scoped3A = tpu.sem_alloc : memref<!tpu.dma_semaphore, #tpu.memory_space<semaphore_mem>>
        tpu.enqueue_dma source(%arg8 : memref<10000x128xf32, #tpu.memory_space<vmem_shared>>) target(%arg6 : memref<10000x128xf32, #tpu.memory_space<hbm>>) target_semaphore(%run_scoped3A : memref<!tpu.dma_semaphore, #tpu.memory_space<semaphore_mem>>)
        tpu.wait_dma2 semaphore(%run_scoped3A : memref<!tpu.dma_semaphore, #tpu.memory_space<semaphore_mem>>) src(%arg8 : memref<10000x128xf32, #tpu.memory_space<vmem_shared>>) dst(%arg6 : memref<10000x128xf32, #tpu.memory_space<hbm>>)
        tpu.yield
      }) : () -> ()
    } else {
    }
    %eq3A_39 = arith.constant 0 : i32
    %eq3A_40 = arith.cmpi eq, %arg1, %eq3A_39 : i32
    %eq3A_41 = arith.constant 1 : i32
    %eq3A_42 = arith.cmpi eq, %arg0, %eq3A_41 : i32
    %and3A_43 = arith.andi %eq3A_40, %eq3A_42 : i1
    %convert_element_type3A_44 = arith.extui %and3A_43 : i1 to i32
    %cond3A_45 = arith.constant 0 : i32
    %cond3A_46 = arith.cmpi ne, %convert_element_type3A_44, %cond3A_45 : i32
    scf.if %cond3A_46 {
      "tpu.region"() ({
        %run_scoped3A = tpu.sem_alloc : memref<!tpu.dma_semaphore, #tpu.memory_space<semaphore_mem>>
        tpu.enqueue_dma source(%arg8 : memref<10000x128xf32, #tpu.memory_space<vmem_shared>>) target(%arg7 : memref<10000x128xf32, #tpu.memory_space<hbm>>) target_semaphore(%run_scoped3A : memref<!tpu.dma_semaphore, #tpu.memory_space<semaphore_mem>>)
        tpu.wait_dma2 semaphore(%run_scoped3A : memref<!tpu.dma_semaphore, #tpu.memory_space<semaphore_mem>>) src(%arg8 : memref<10000x128xf32, #tpu.memory_space<vmem_shared>>) dst(%arg7 : memref<10000x128xf32, #tpu.memory_space<hbm>>)
        tpu.yield
      }) : () -> ()
    } else {
    }
    return
  }
}

module attributes {stable_mosaic.version = 14 : i64} {
  func.func @_tables_body(%arg0: i32, %arg1: memref<2000x128xf32, #tpu.memory_space<vmem>>, %arg2: memref<128x512xf32, #tpu.memory_space<vmem>>, %arg3: memref<1x512xf32, #tpu.memory_space<vmem>>, %arg4: memref<2000x1xf32, #tpu.memory_space<vmem>>, %arg5: memref<2000x128xf32, #tpu.memory_space<vmem>>, %arg6: memref<2000x256xf32, #tpu.memory_space<vmem>>, %arg7: memref<2000x128xf32, #tpu.memory_space<vmem>>) attributes {dimension_semantics = [#tpu.dimension_semantics<arbitrary>], iteration_bounds = array<i64: 5>, scalar_prefetch = 0 : i64, scratch_operands = 0 : i64, tpu.core_type = #tpu.core_type<tc>, window_params = [{transform_indices = @transform_0, window_bounds = array<i64: 2000, 128>}, {pipeline_mode = #tpu.pipeline_mode<synchronous>, transform_indices = @transform_1, window_bounds = array<i64: 128, 512>}, {pipeline_mode = #tpu.pipeline_mode<synchronous>, transform_indices = @transform_2, window_bounds = array<i64: 1, 512>}, {transform_indices = @transform_3, window_bounds = array<i64: 2000, 1>}, {transform_indices = @transform_4, window_bounds = array<i64: 2000, 128>}, {transform_indices = @transform_5, window_bounds = array<i64: 2000, 256>}, {transform_indices = @transform_6, window_bounds = array<i64: 2000, 128>}]} {
    %get3A = arith.constant 0 : index
    %get3A_0 = arith.constant 0 : index
    %get3A_1 = vector.load %arg1[%get3A, %get3A_0] : memref<2000x128xf32, #tpu.memory_space<vmem>>, vector<2000x128xf32>
    %get3A_2 = arith.constant 0 : index
    %get3A_3 = arith.constant 0 : index
    %get3A_4 = vector.load %arg2[%get3A_2, %get3A_3] : memref<128x512xf32, #tpu.memory_space<vmem>>, vector<128x512xf32>
    %dot_general3A = arith.constant dense<0.000000e+00> : vector<2000x512xf32>
    %dot_general3A_5 = tpu.matmul %get3A_1, %get3A_4, %dot_general3A {dimension_numbers = #tpu.dot_dimension_numbers<[1], [0], [0], [1], [0, 0, 1, 1], [], []>, transpose_lhs_hint = false} : vector<2000x128xf32>, vector<128x512xf32>, vector<2000x512xf32> -> vector<2000x512xf32>
    %get3A_6 = arith.constant 0 : index
    %get3A_7 = arith.constant 0 : index
    %get3A_8 = vector.load %arg3[%get3A_6, %get3A_7] : memref<1x512xf32, #tpu.memory_space<vmem>>, vector<1x512xf32>
    %add3A = vector.broadcast %get3A_8 : vector<1x512xf32> to vector<2000x512xf32>
    %add3A_9 = arith.addf %dot_general3A_5, %add3A : vector<2000x512xf32>
    %slice3A = vector.extract_strided_slice %add3A_9 {offsets = [0, 0], sizes = [2000, 128], strides = [1, 1]} : vector<2000x512xf32> to vector<2000x128xf32>
    %swap3A = arith.constant 0 : index
    %swap3A_10 = arith.constant 0 : index
    %swap3A_11 = vector.load %arg5[%swap3A, %swap3A_10] : memref<2000x128xf32, #tpu.memory_space<vmem>>, vector<2000x128xf32>
    tpu.vector_store %arg5[%swap3A, %swap3A_10], %slice3A {strides = array<i32>} : memref<2000x128xf32, #tpu.memory_space<vmem>>, vector<2000x128xf32>,
    %slice3A_12 = vector.extract_strided_slice %add3A_9 {offsets = [0, 128], sizes = [2000, 128], strides = [1, 1]} : vector<2000x512xf32> to vector<2000x128xf32>
    %bitcast_convert_type3A = tpu.bitcast %slice3A_12 : vector<2000x128xf32> -> vector<2000x128xi32>
    %slice3A_13 = vector.extract_strided_slice %add3A_9 {offsets = [0, 256], sizes = [2000, 128], strides = [1, 1]} : vector<2000x512xf32> to vector<2000x128xf32>
    %bitcast_convert_type3A_14 = tpu.bitcast %slice3A_13 : vector<2000x128xf32> -> vector<2000x128xi32>
    %add3A_15 = arith.constant 32767 : i32
    %add3A_16 = vector.broadcast %add3A_15 : i32 to vector<2000x128xi32>
    %add3A_17 = arith.addi %bitcast_convert_type3A, %add3A_16 : vector<2000x128xi32>
    %shift_right_logical3A = arith.constant 16 : i32
    %shift_right_logical3A_18 = vector.broadcast %shift_right_logical3A : i32 to vector<2000x128xi32>
    %shift_right_logical3A_19 = arith.shrui %bitcast_convert_type3A, %shift_right_logical3A_18 : vector<2000x128xi32>
    %and3A = arith.constant 1 : i32
    %and3A_20 = vector.broadcast %and3A : i32 to vector<2000x128xi32>
    %and3A_21 = arith.andi %shift_right_logical3A_19, %and3A_20 : vector<2000x128xi32>
    %add3A_22 = arith.addi %add3A_17, %and3A_21 : vector<2000x128xi32>
    %and3A_23 = arith.constant -65536 : i32
    %and3A_24 = vector.broadcast %and3A_23 : i32 to vector<2000x128xi32>
    %and3A_25 = arith.andi %add3A_22, %and3A_24 : vector<2000x128xi32>
    %add3A_26 = arith.constant 32767 : i32
    %add3A_27 = vector.broadcast %add3A_26 : i32 to vector<2000x128xi32>
    %add3A_28 = arith.addi %bitcast_convert_type3A_14, %add3A_27 : vector<2000x128xi32>
    %shift_right_logical3A_29 = arith.constant 16 : i32
    %shift_right_logical3A_30 = vector.broadcast %shift_right_logical3A_29 : i32 to vector<2000x128xi32>
    %shift_right_logical3A_31 = arith.shrui %bitcast_convert_type3A_14, %shift_right_logical3A_30 : vector<2000x128xi32>
    %and3A_32 = arith.constant 1 : i32
    %and3A_33 = vector.broadcast %and3A_32 : i32 to vector<2000x128xi32>
    %and3A_34 = arith.andi %shift_right_logical3A_31, %and3A_33 : vector<2000x128xi32>
    %add3A_35 = arith.addi %add3A_28, %and3A_34 : vector<2000x128xi32>
    %shift_right_logical3A_36 = arith.constant 16 : i32
    %shift_right_logical3A_37 = vector.broadcast %shift_right_logical3A_36 : i32 to vector<2000x128xi32>
    %shift_right_logical3A_38 = arith.shrui %add3A_35, %shift_right_logical3A_37 : vector<2000x128xi32>
    %or3A = arith.ori %and3A_25, %shift_right_logical3A_38 : vector<2000x128xi32>
    %bitcast_convert_type3A_39 = tpu.bitcast %or3A : vector<2000x128xi32> -> vector<2000x128xf32>
    %swap3A_40 = arith.constant 0 : index
    %swap3A_41 = arith.constant 0 : index
    %swap3A_42 = vector.load %arg6[%swap3A_40, %swap3A_41] : memref<2000x256xf32, #tpu.memory_space<vmem>>, vector<2000x128xf32>
    tpu.vector_store %arg6[%swap3A_40, %swap3A_41], %bitcast_convert_type3A_39 {strides = array<i32>} : memref<2000x256xf32, #tpu.memory_space<vmem>>, vector<2000x128xf32>,
    %get3A_43 = arith.constant 0 : index
    %get3A_44 = arith.constant 0 : index
    %get3A_45 = vector.load %arg4[%get3A_43, %get3A_44] : memref<2000x1xf32, #tpu.memory_space<vmem>>, vector<2000x1xf32>
    %swap3A_46 = arith.constant 0 : index
    %swap3A_47 = arith.constant 128 : index
    %swap3A_48 = vector.load %arg6[%swap3A_46, %swap3A_47] : memref<2000x256xf32, #tpu.memory_space<vmem>>, vector<2000x1xf32>
    tpu.vector_store %arg6[%swap3A_46, %swap3A_47], %get3A_45 {strides = array<i32>} : memref<2000x256xf32, #tpu.memory_space<vmem>>, vector<2000x1xf32>,
    %broadcast_in_dim3A = arith.constant 0.000000e+00 : f32
    %broadcast_in_dim3A_49 = vector.broadcast %broadcast_in_dim3A : f32 to vector<2000x127xf32>
    %swap3A_50 = arith.constant 0 : index
    %swap3A_51 = arith.constant 129 : index
    %swap3A_52 = vector.load %arg6[%swap3A_50, %swap3A_51] : memref<2000x256xf32, #tpu.memory_space<vmem>>, vector<2000x127xf32>
    tpu.vector_store %arg6[%swap3A_50, %swap3A_51], %broadcast_in_dim3A_49 {strides = array<i32>} : memref<2000x256xf32, #tpu.memory_space<vmem>>, vector<2000x127xf32>,
    %slice3A_53 = vector.extract_strided_slice %add3A_9 {offsets = [0, 384], sizes = [2000, 128], strides = [1, 1]} : vector<2000x512xf32> to vector<2000x128xf32>
    %swap3A_54 = arith.constant 0 : index
    %swap3A_55 = arith.constant 0 : index
    %swap3A_56 = vector.load %arg7[%swap3A_54, %swap3A_55] : memref<2000x128xf32, #tpu.memory_space<vmem>>, vector<2000x128xf32>
    tpu.vector_store %arg7[%swap3A_54, %swap3A_55], %slice3A_53 {strides = array<i32>} : memref<2000x128xf32, #tpu.memory_space<vmem>>, vector<2000x128xf32>,
    return
  }
  func.func @transform_0(%arg0: i32) -> (i32, i32) {
    %c0_i32 = arith.constant 0 : i32
    %c0_i32_0 = arith.constant 0 : i32
    return %arg0, %c0_i32 : i32, i32
  }
  func.func @transform_1(%arg0: i32) -> (i32, i32) {
    %c0_i32 = arith.constant 0 : i32
    %c0_i32_0 = arith.constant 0 : i32
    %c0_i32_1 = arith.constant 0 : i32
    return %c0_i32, %c0_i32_0 : i32, i32
  }
  func.func @transform_2(%arg0: i32) -> (i32, i32) {
    %c0_i32 = arith.constant 0 : i32
    %c0_i32_0 = arith.constant 0 : i32
    %c0_i32_1 = arith.constant 0 : i32
    return %c0_i32, %c0_i32_0 : i32, i32
  }
  func.func @transform_3(%arg0: i32) -> (i32, i32) {
    %c0_i32 = arith.constant 0 : i32
    %c0_i32_0 = arith.constant 0 : i32
    return %arg0, %c0_i32 : i32, i32
  }
  func.func @transform_4(%arg0: i32) -> (i32, i32) {
    %c0_i32 = arith.constant 0 : i32
    %c0_i32_0 = arith.constant 0 : i32
    return %arg0, %c0_i32 : i32, i32
  }
  func.func @transform_5(%arg0: i32) -> (i32, i32) {
    %c0_i32 = arith.constant 0 : i32
    %c0_i32_0 = arith.constant 0 : i32
    return %arg0, %c0_i32 : i32, i32
  }
  func.func @transform_6(%arg0: i32) -> (i32, i32) {
    %c0_i32 = arith.constant 0 : i32
    %c0_i32_0 = arith.constant 0 : i32
    return %arg0, %c0_i32 : i32, i32
  }
}

module attributes {stable_mosaic.version = 14 : i64} {
  func.func @_edge_body(%arg0: i32, %arg1: memref<2000x128xf32, #tpu.memory_space<vmem>>, %arg2: memref<2000x256xf32, #tpu.memory_space<vmem>>, %arg3: memref<2000x1xf32, #tpu.memory_space<vmem>>, %arg4: memref<2000x16xf32, #tpu.memory_space<vmem>>, %arg5: memref<1x128xf32, #tpu.memory_space<vmem>>, %arg6: memref<1x128xf32, #tpu.memory_space<vmem>>, %arg7: memref<128x128xf32, #tpu.memory_space<vmem>>, %arg8: memref<16x128xf32, #tpu.memory_space<vmem>>, %arg9: memref<128x2xf32, #tpu.memory_space<vmem>>, %arg10: memref<2x128xf32, #tpu.memory_space<vmem>>, %arg11: memref<2000x128xf32, #tpu.memory_space<vmem>>, %arg12: memref<2000x128xf32, #tpu.memory_space<vmem>>) attributes {dimension_semantics = [#tpu.dimension_semantics<arbitrary>], iteration_bounds = array<i64: 160>, scalar_prefetch = 0 : i64, scratch_operands = 0 : i64, tpu.core_type = #tpu.core_type<tc>, window_params = [{transform_indices = @transform_0, window_bounds = array<i64: 2000, 128>}, {transform_indices = @transform_1, window_bounds = array<i64: 2000, 256>}, {transform_indices = @transform_2, window_bounds = array<i64: 2000, 1>}, {transform_indices = @transform_3, window_bounds = array<i64: 2000, 16>}, {pipeline_mode = #tpu.pipeline_mode<synchronous>, transform_indices = @transform_4, window_bounds = array<i64: 1, 128>}, {pipeline_mode = #tpu.pipeline_mode<synchronous>, transform_indices = @transform_5, window_bounds = array<i64: 1, 128>}, {pipeline_mode = #tpu.pipeline_mode<synchronous>, transform_indices = @transform_6, window_bounds = array<i64: 128, 128>}, {pipeline_mode = #tpu.pipeline_mode<synchronous>, transform_indices = @transform_7, window_bounds = array<i64: 16, 128>}, {pipeline_mode = #tpu.pipeline_mode<synchronous>, transform_indices = @transform_8, window_bounds = array<i64: 128, 2>}, {pipeline_mode = #tpu.pipeline_mode<synchronous>, transform_indices = @transform_9, window_bounds = array<i64: 2, 128>}, {transform_indices = @transform_10, window_bounds = array<i64: 2000, 128>}, {transform_indices = @transform_11, window_bounds = array<i64: 2000, 128>}]} {
    %get3A = arith.constant 0 : index
    %get3A_0 = arith.constant 0 : index
    %get3A_1 = vector.load %arg2[%get3A, %get3A_0] : memref<2000x256xf32, #tpu.memory_space<vmem>>, vector<2000x256xf32>
    %slice3A = vector.extract_strided_slice %get3A_1 {offsets = [0, 0], sizes = [2000, 128], strides = [1, 1]} : vector<2000x256xf32> to vector<2000x128xf32>
    %bitcast_convert_type3A = tpu.bitcast %slice3A : vector<2000x128xf32> -> vector<2000x128xi32>
    %and3A = arith.constant -65536 : i32
    %and3A_2 = vector.broadcast %and3A : i32 to vector<2000x128xi32>
    %and3A_3 = arith.andi %bitcast_convert_type3A, %and3A_2 : vector<2000x128xi32>
    %bitcast_convert_type3A_4 = tpu.bitcast %and3A_3 : vector<2000x128xi32> -> vector<2000x128xf32>
    %shift_left3A = arith.constant 16 : i32
    %shift_left3A_5 = vector.broadcast %shift_left3A : i32 to vector<2000x128xi32>
    %shift_left3A_6 = arith.shli %bitcast_convert_type3A, %shift_left3A_5 : vector<2000x128xi32>
    %bitcast_convert_type3A_7 = tpu.bitcast %shift_left3A_6 : vector<2000x128xi32> -> vector<2000x128xf32>
    %slice3A_8 = vector.extract_strided_slice %get3A_1 {offsets = [0, 128], sizes = [2000, 1], strides = [1, 1]} : vector<2000x256xf32> to vector<2000x1xf32>
    %get3A_9 = arith.constant 0 : index
    %get3A_10 = arith.constant 0 : index
    %get3A_11 = vector.load %arg3[%get3A_9, %get3A_10] : memref<2000x1xf32, #tpu.memory_space<vmem>>, vector<2000x1xf32>
    %sub3A = arith.subf %slice3A_8, %get3A_11 : vector<2000x1xf32>
    %get3A_12 = arith.constant 0 : index
    %get3A_13 = arith.constant 0 : index
    %get3A_14 = vector.load %arg5[%get3A_12, %get3A_13] : memref<1x128xf32, #tpu.memory_space<vmem>>, vector<1x128xf32>
    %mul3A = vector.broadcast %sub3A : vector<2000x1xf32> to vector<2000x128xf32>
    %mul3A_15 = vector.broadcast %get3A_14 : vector<1x128xf32> to vector<2000x128xf32>
    %mul3A_16 = arith.mulf %mul3A, %mul3A_15 : vector<2000x128xf32>
    %get3A_17 = arith.constant 0 : index
    %get3A_18 = arith.constant 0 : index
    %get3A_19 = vector.load %arg6[%get3A_17, %get3A_18] : memref<1x128xf32, #tpu.memory_space<vmem>>, vector<1x128xf32>
    %add3A = vector.broadcast %get3A_19 : vector<1x128xf32> to vector<2000x128xf32>
    %add3A_20 = arith.addf %mul3A_16, %add3A : vector<2000x128xf32>
    %cos3A = math.cos %add3A_20 : vector<2000x128xf32>
    %get3A_21 = arith.constant 0 : index
    %get3A_22 = arith.constant 0 : index
    %get3A_23 = vector.load %arg7[%get3A_21, %get3A_22] : memref<128x128xf32, #tpu.memory_space<vmem>>, vector<128x128xf32>
    %dot_general3A = arith.constant dense<0.000000e+00> : vector<2000x128xf32>
    %dot_general3A_24 = tpu.matmul %cos3A, %get3A_23, %dot_general3A {dimension_numbers = #tpu.dot_dimension_numbers<[1], [0], [0], [1], [0, 0, 1, 1], [], []>, transpose_lhs_hint = false} : vector<2000x128xf32>, vector<128x128xf32>, vector<2000x128xf32> -> vector<2000x128xf32>
    %get3A_25 = arith.constant 0 : index
    %get3A_26 = arith.constant 0 : index
    %get3A_27 = vector.load %arg4[%get3A_25, %get3A_26] : memref<2000x16xf32, #tpu.memory_space<vmem>>, vector<2000x16xf32>
    %get3A_28 = arith.constant 0 : index
    %get3A_29 = arith.constant 0 : index
    %get3A_30 = vector.load %arg8[%get3A_28, %get3A_29] : memref<16x128xf32, #tpu.memory_space<vmem>>, vector<16x128xf32>
    %dot_general3A_31 = arith.constant dense<0.000000e+00> : vector<2000x128xf32>
    %dot_general3A_32 = tpu.matmul %get3A_27, %get3A_30, %dot_general3A_31 {dimension_numbers = #tpu.dot_dimension_numbers<[1], [0], [0], [1], [0, 0, 1, 1], [], []>, transpose_lhs_hint = false} : vector<2000x16xf32>, vector<16x128xf32>, vector<2000x128xf32> -> vector<2000x128xf32>
    %add3A_33 = arith.addf %dot_general3A_24, %dot_general3A_32 : vector<2000x128xf32>
    %add3A_34 = arith.addf %bitcast_convert_type3A_4, %add3A_33 : vector<2000x128xf32>
    %add3A_35 = arith.addf %bitcast_convert_type3A_7, %add3A_33 : vector<2000x128xf32>
    %get3A_36 = arith.constant 0 : index
    %get3A_37 = arith.constant 0 : index
    %get3A_38 = vector.load %arg1[%get3A_36, %get3A_37] : memref<2000x128xf32, #tpu.memory_space<vmem>>, vector<2000x128xf32>
    %mul3A_39 = arith.mulf %get3A_38, %add3A_34 : vector<2000x128xf32>
    %get3A_40 = arith.constant 0 : index
    %get3A_41 = arith.constant 0 : index
    %get3A_42 = vector.load %arg9[%get3A_40, %get3A_41] : memref<128x2xf32, #tpu.memory_space<vmem>>, vector<128x2xf32>
    %dot_general3A_43 = arith.constant dense<0.000000e+00> : vector<2000x2xf32>
    %dot_general3A_44 = tpu.matmul %mul3A_39, %get3A_42, %dot_general3A_43 {dimension_numbers = #tpu.dot_dimension_numbers<[1], [0], [0], [1], [0, 0, 1, 1], [], []>, transpose_lhs_hint = false} : vector<2000x128xf32>, vector<128x2xf32>, vector<2000x2xf32> -> vector<2000x2xf32>
    %mul3A_45 = arith.constant 1.250000e-01 : f32
    %mul3A_46 = vector.broadcast %mul3A_45 : f32 to vector<2000x2xf32>
    %mul3A_47 = arith.mulf %dot_general3A_44, %mul3A_46 : vector<2000x2xf32>
    %exp3A = math.exp %mul3A_47 : vector<2000x2xf32>
    %get3A_48 = arith.constant 0 : index
    %get3A_49 = arith.constant 0 : index
    %get3A_50 = vector.load %arg10[%get3A_48, %get3A_49] : memref<2x128xf32, #tpu.memory_space<vmem>>, vector<2x128xf32>
    %dot_general3A_51 = arith.constant dense<0.000000e+00> : vector<2000x128xf32>
    %dot_general3A_52 = tpu.matmul %exp3A, %get3A_50, %dot_general3A_51 {dimension_numbers = #tpu.dot_dimension_numbers<[1], [0], [0], [1], [0, 0, 1, 1], [], []>, transpose_lhs_hint = false} : vector<2000x2xf32>, vector<2x128xf32>, vector<2000x128xf32> -> vector<2000x128xf32>
    %mul3A_53 = arith.mulf %dot_general3A_52, %add3A_35 : vector<2000x128xf32>
    %broadcast_in_dim3A = arith.constant 0.000000e+00 : f32
    %broadcast_in_dim3A_54 = vector.broadcast %broadcast_in_dim3A : f32 to vector<2000x63xf32>
    %slice3A_55 = vector.extract_strided_slice %mul3A_53 {offsets = [0, 0], sizes = [2000, 64], strides = [1, 1]} : vector<2000x128xf32> to vector<2000x64xf32>
    %swap3A = arith.constant 0 : index
    %swap3A_56 = arith.constant 0 : index
    %swap3A_57 = vector.load %arg11[%swap3A, %swap3A_56] : memref<2000x128xf32, #tpu.memory_space<vmem>>, vector<2000x64xf32>
    tpu.vector_store %arg11[%swap3A, %swap3A_56], %slice3A_55 {strides = array<i32>} : memref<2000x128xf32, #tpu.memory_space<vmem>>, vector<2000x64xf32>,
    %slice3A_58 = vector.extract_strided_slice %exp3A {offsets = [0, 0], sizes = [2000, 1], strides = [1, 1]} : vector<2000x2xf32> to vector<2000x1xf32>
    %swap3A_59 = arith.constant 0 : index
    %swap3A_60 = arith.constant 64 : index
    %swap3A_61 = vector.load %arg11[%swap3A_59, %swap3A_60] : memref<2000x128xf32, #tpu.memory_space<vmem>>, vector<2000x1xf32>
    tpu.vector_store %arg11[%swap3A_59, %swap3A_60], %slice3A_58 {strides = array<i32>} : memref<2000x128xf32, #tpu.memory_space<vmem>>, vector<2000x1xf32>,
    %swap3A_62 = arith.constant 0 : index
    %swap3A_63 = arith.constant 65 : index
    %swap3A_64 = vector.load %arg11[%swap3A_62, %swap3A_63] : memref<2000x128xf32, #tpu.memory_space<vmem>>, vector<2000x63xf32>
    tpu.vector_store %arg11[%swap3A_62, %swap3A_63], %broadcast_in_dim3A_54 {strides = array<i32>} : memref<2000x128xf32, #tpu.memory_space<vmem>>, vector<2000x63xf32>,
    %slice3A_65 = vector.extract_strided_slice %mul3A_53 {offsets = [0, 64], sizes = [2000, 64], strides = [1, 1]} : vector<2000x128xf32> to vector<2000x64xf32>
    %swap3A_66 = arith.constant 0 : index
    %swap3A_67 = arith.constant 0 : index
    %swap3A_68 = vector.load %arg12[%swap3A_66, %swap3A_67] : memref<2000x128xf32, #tpu.memory_space<vmem>>, vector<2000x64xf32>
    tpu.vector_store %arg12[%swap3A_66, %swap3A_67], %slice3A_65 {strides = array<i32>} : memref<2000x128xf32, #tpu.memory_space<vmem>>, vector<2000x64xf32>,
    %slice3A_69 = vector.extract_strided_slice %exp3A {offsets = [0, 1], sizes = [2000, 1], strides = [1, 1]} : vector<2000x2xf32> to vector<2000x1xf32>
    %swap3A_70 = arith.constant 0 : index
    %swap3A_71 = arith.constant 64 : index
    %swap3A_72 = vector.load %arg12[%swap3A_70, %swap3A_71] : memref<2000x128xf32, #tpu.memory_space<vmem>>, vector<2000x1xf32>
    tpu.vector_store %arg12[%swap3A_70, %swap3A_71], %slice3A_69 {strides = array<i32>} : memref<2000x128xf32, #tpu.memory_space<vmem>>, vector<2000x1xf32>,
    %swap3A_73 = arith.constant 0 : index
    %swap3A_74 = arith.constant 65 : index
    %swap3A_75 = vector.load %arg12[%swap3A_73, %swap3A_74] : memref<2000x128xf32, #tpu.memory_space<vmem>>, vector<2000x63xf32>
    tpu.vector_store %arg12[%swap3A_73, %swap3A_74], %broadcast_in_dim3A_54 {strides = array<i32>} : memref<2000x128xf32, #tpu.memory_space<vmem>>, vector<2000x63xf32>,
    return
  }
  func.func @transform_0(%arg0: i32) -> (i32, i32) {
    %c0_i32 = arith.constant 0 : i32
    %c0_i32_0 = arith.constant 0 : i32
    return %arg0, %c0_i32 : i32, i32
  }
  func.func @transform_1(%arg0: i32) -> (i32, i32) {
    %c0_i32 = arith.constant 0 : i32
    %c0_i32_0 = arith.constant 0 : i32
    return %arg0, %c0_i32 : i32, i32
  }
  func.func @transform_2(%arg0: i32) -> (i32, i32) {
    %c0_i32 = arith.constant 0 : i32
    %c0_i32_0 = arith.constant 0 : i32
    return %arg0, %c0_i32 : i32, i32
  }
  func.func @transform_3(%arg0: i32) -> (i32, i32) {
    %c0_i32 = arith.constant 0 : i32
    %c0_i32_0 = arith.constant 0 : i32
    return %arg0, %c0_i32 : i32, i32
  }
  func.func @transform_4(%arg0: i32) -> (i32, i32) {
    %c0_i32 = arith.constant 0 : i32
    %c0_i32_0 = arith.constant 0 : i32
    %c0_i32_1 = arith.constant 0 : i32
    return %c0_i32, %c0_i32_0 : i32, i32
  }
  func.func @transform_5(%arg0: i32) -> (i32, i32) {
    %c0_i32 = arith.constant 0 : i32
    %c0_i32_0 = arith.constant 0 : i32
    %c0_i32_1 = arith.constant 0 : i32
    return %c0_i32, %c0_i32_0 : i32, i32
  }
  func.func @transform_6(%arg0: i32) -> (i32, i32) {
    %c0_i32 = arith.constant 0 : i32
    %c0_i32_0 = arith.constant 0 : i32
    %c0_i32_1 = arith.constant 0 : i32
    return %c0_i32, %c0_i32_0 : i32, i32
  }
  func.func @transform_7(%arg0: i32) -> (i32, i32) {
    %c0_i32 = arith.constant 0 : i32
    %c0_i32_0 = arith.constant 0 : i32
    %c0_i32_1 = arith.constant 0 : i32
    return %c0_i32, %c0_i32_0 : i32, i32
  }
  func.func @transform_8(%arg0: i32) -> (i32, i32) {
    %c0_i32 = arith.constant 0 : i32
    %c0_i32_0 = arith.constant 0 : i32
    %c0_i32_1 = arith.constant 0 : i32
    return %c0_i32, %c0_i32_0 : i32, i32
  }
  func.func @transform_9(%arg0: i32) -> (i32, i32) {
    %c0_i32 = arith.constant 0 : i32
    %c0_i32_0 = arith.constant 0 : i32
    %c0_i32_1 = arith.constant 0 : i32
    return %c0_i32, %c0_i32_0 : i32, i32
  }
  func.func @transform_10(%arg0: i32) -> (i32, i32) {
    %c0_i32 = arith.constant 0 : i32
    %c0_i32_0 = arith.constant 0 : i32
    return %arg0, %c0_i32 : i32, i32
  }
  func.func @transform_11(%arg0: i32) -> (i32, i32) {
    %c0_i32 = arith.constant 0 : i32
    %c0_i32_0 = arith.constant 0 : i32
    return %arg0, %c0_i32 : i32, i32
  }
}

module attributes {stable_mosaic.version = 14 : i64} {
  func.func @_final_body(%arg0: i32, %arg1: memref<2000x128xf32, #tpu.memory_space<vmem>>, %arg2: memref<2000x128xf32, #tpu.memory_space<vmem>>, %arg3: memref<2000x128xf32, #tpu.memory_space<vmem>>, %arg4: memref<128x128xf32, #tpu.memory_space<vmem>>, %arg5: memref<128x128xf32, #tpu.memory_space<vmem>>, %arg6: memref<128x128xf32, #tpu.memory_space<vmem>>, %arg7: memref<128x128xf32, #tpu.memory_space<vmem>>, %arg8: memref<2000x128xf32, #tpu.memory_space<vmem>>) attributes {dimension_semantics = [#tpu.dimension_semantics<arbitrary>], iteration_bounds = array<i64: 5>, scalar_prefetch = 0 : i64, scratch_operands = 0 : i64, tpu.core_type = #tpu.core_type<tc>, window_params = [{transform_indices = @transform_0, window_bounds = array<i64: 2000, 128>}, {transform_indices = @transform_1, window_bounds = array<i64: 2000, 128>}, {transform_indices = @transform_2, window_bounds = array<i64: 2000, 128>}, {pipeline_mode = #tpu.pipeline_mode<synchronous>, transform_indices = @transform_3, window_bounds = array<i64: 128, 128>}, {pipeline_mode = #tpu.pipeline_mode<synchronous>, transform_indices = @transform_4, window_bounds = array<i64: 128, 128>}, {pipeline_mode = #tpu.pipeline_mode<synchronous>, transform_indices = @transform_5, window_bounds = array<i64: 128, 128>}, {pipeline_mode = #tpu.pipeline_mode<synchronous>, transform_indices = @transform_6, window_bounds = array<i64: 128, 128>}, {transform_indices = @transform_7, window_bounds = array<i64: 2000, 128>}]} {
    %get3A = arith.constant 0 : index
    %get3A_0 = arith.constant 0 : index
    %get3A_1 = vector.load %arg1[%get3A, %get3A_0] : memref<2000x128xf32, #tpu.memory_space<vmem>>, vector<2000x128xf32>
    %get3A_2 = arith.constant 0 : index
    %get3A_3 = arith.constant 0 : index
    %get3A_4 = vector.load %arg2[%get3A_2, %get3A_3] : memref<2000x128xf32, #tpu.memory_space<vmem>>, vector<2000x128xf32>
    %get3A_5 = arith.constant 0 : index
    %get3A_6 = arith.constant 0 : index
    %get3A_7 = vector.load %arg4[%get3A_5, %get3A_6] : memref<128x128xf32, #tpu.memory_space<vmem>>, vector<128x128xf32>
    %dot_general3A = arith.constant dense<0.000000e+00> : vector<2000x128xf32>
    %dot_general3A_8 = tpu.matmul %get3A_1, %get3A_7, %dot_general3A {dimension_numbers = #tpu.dot_dimension_numbers<[1], [0], [0], [1], [0, 0, 1, 1], [], []>, transpose_lhs_hint = false} : vector<2000x128xf32>, vector<128x128xf32>, vector<2000x128xf32> -> vector<2000x128xf32>
    %get3A_9 = arith.constant 0 : index
    %get3A_10 = arith.constant 0 : index
    %get3A_11 = vector.load %arg5[%get3A_9, %get3A_10] : memref<128x128xf32, #tpu.memory_space<vmem>>, vector<128x128xf32>
    %dot_general3A_12 = arith.constant dense<0.000000e+00> : vector<2000x128xf32>
    %dot_general3A_13 = tpu.matmul %get3A_4, %get3A_11, %dot_general3A_12 {dimension_numbers = #tpu.dot_dimension_numbers<[1], [0], [0], [1], [0, 0, 1, 1], [], []>, transpose_lhs_hint = false} : vector<2000x128xf32>, vector<128x128xf32>, vector<2000x128xf32> -> vector<2000x128xf32>
    %add3A = arith.addf %dot_general3A_8, %dot_general3A_13 : vector<2000x128xf32>
    %get3A_14 = arith.constant 0 : index
    %get3A_15 = arith.constant 0 : index
    %get3A_16 = vector.load %arg6[%get3A_14, %get3A_15] : memref<128x128xf32, #tpu.memory_space<vmem>>, vector<128x128xf32>
    %dot_general3A_17 = arith.constant dense<0.000000e+00> : vector<2000x128xf32>
    %dot_general3A_18 = tpu.matmul %get3A_1, %get3A_16, %dot_general3A_17 {dimension_numbers = #tpu.dot_dimension_numbers<[1], [0], [0], [1], [0, 0, 1, 1], [], []>, transpose_lhs_hint = false} : vector<2000x128xf32>, vector<128x128xf32>, vector<2000x128xf32> -> vector<2000x128xf32>
    %get3A_19 = arith.constant 0 : index
    %get3A_20 = arith.constant 0 : index
    %get3A_21 = vector.load %arg7[%get3A_19, %get3A_20] : memref<128x128xf32, #tpu.memory_space<vmem>>, vector<128x128xf32>
    %dot_general3A_22 = arith.constant dense<0.000000e+00> : vector<2000x128xf32>
    %dot_general3A_23 = tpu.matmul %get3A_4, %get3A_21, %dot_general3A_22 {dimension_numbers = #tpu.dot_dimension_numbers<[1], [0], [0], [1], [0, 0, 1, 1], [], []>, transpose_lhs_hint = false} : vector<2000x128xf32>, vector<128x128xf32>, vector<2000x128xf32> -> vector<2000x128xf32>
    %add3A_24 = arith.addf %dot_general3A_18, %dot_general3A_23 : vector<2000x128xf32>
    %gt3A = arith.constant 0.000000e+00 : f32
    %gt3A_25 = vector.broadcast %gt3A : f32 to vector<2000x128xf32>
    %gt3A_26 = arith.cmpf ogt, %add3A_24, %gt3A_25 : vector<2000x128xf32>
    %div3A = arith.divf %add3A, %add3A_24 : vector<2000x128xf32>
    %jit3A = arith.constant 0.000000e+00 : f32
    %broadcast_in_dim3A = vector.broadcast %jit3A : f32 to vector<2000x128xf32>
    %select_n3A = arith.select %gt3A_26, %div3A, %broadcast_in_dim3A : vector<2000x128xi1>, vector<2000x128xf32>
    %get3A_27 = arith.constant 0 : index
    %get3A_28 = arith.constant 0 : index
    %get3A_29 = vector.load %arg3[%get3A_27, %get3A_28] : memref<2000x128xf32, #tpu.memory_space<vmem>>, vector<2000x128xf32>
    %add3A_30 = arith.addf %select_n3A, %get3A_29 : vector<2000x128xf32>
    %swap3A = arith.constant 0 : index
    %swap3A_31 = arith.constant 0 : index
    %swap3A_32 = vector.load %arg8[%swap3A, %swap3A_31] : memref<2000x128xf32, #tpu.memory_space<vmem>>, vector<2000x128xf32>
    tpu.vector_store %arg8[%swap3A, %swap3A_31], %add3A_30 {strides = array<i32>} : memref<2000x128xf32, #tpu.memory_space<vmem>>, vector<2000x128xf32>,
    return
  }
  func.func @transform_0(%arg0: i32) -> (i32, i32) {
    %c0_i32 = arith.constant 0 : i32
    %c0_i32_0 = arith.constant 0 : i32
    return %arg0, %c0_i32 : i32, i32
  }
  func.func @transform_1(%arg0: i32) -> (i32, i32) {
    %c0_i32 = arith.constant 0 : i32
    %c0_i32_0 = arith.constant 0 : i32
    return %arg0, %c0_i32 : i32, i32
  }
  func.func @transform_2(%arg0: i32) -> (i32, i32) {
    %c0_i32 = arith.constant 0 : i32
    %c0_i32_0 = arith.constant 0 : i32
    return %arg0, %c0_i32 : i32, i32
  }
  func.func @transform_3(%arg0: i32) -> (i32, i32) {
    %c0_i32 = arith.constant 0 : i32
    %c0_i32_0 = arith.constant 0 : i32
    %c0_i32_1 = arith.constant 0 : i32
    return %c0_i32, %c0_i32_0 : i32, i32
  }
  func.func @transform_4(%arg0: i32) -> (i32, i32) {
    %c0_i32 = arith.constant 0 : i32
    %c0_i32_0 = arith.constant 0 : i32
    %c0_i32_1 = arith.constant 0 : i32
    return %c0_i32, %c0_i32_0 : i32, i32
  }
  func.func @transform_5(%arg0: i32) -> (i32, i32) {
    %c0_i32 = arith.constant 0 : i32
    %c0_i32_0 = arith.constant 0 : i32
    %c0_i32_1 = arith.constant 0 : i32
    return %c0_i32, %c0_i32_0 : i32, i32
  }
  func.func @transform_6(%arg0: i32) -> (i32, i32) {
    %c0_i32 = arith.constant 0 : i32
    %c0_i32_0 = arith.constant 0 : i32
    %c0_i32_1 = arith.constant 0 : i32
    return %c0_i32, %c0_i32_0 : i32, i32
  }
  func.func @transform_7(%arg0: i32) -> (i32, i32) {
    %c0_i32 = arith.constant 0 : i32
    %c0_i32_0 = arith.constant 0 : i32
    return %arg0, %c0_i32 : i32, i32
  }
}

</mosaic_0001>

<sc_bundles>
// kernel: kernel.10.cloned.1.call-start
scs
__scs_entry_jumppad:
0x0: {  	(pc) =	sbr.rel $0x88, $3  }
0x1: {  	(tag) =	ssettag $0x0;
	lr =	simm.s32 $0x1  }
0x2: {  	[smem:$0x3F91] =	sst lr;
	_ =	strace $0xD0000000  }
0x3: {  	_ = 	snop  }
0x4: {  	_ = 	snop  }
0x5: {  	_ = 	snop  }
0x6: {  	_ = 	snop  }
0x7: {  	_ = 	snop  }
__scs_overlays_trampoline_lowered:
0x8: {  	[smem:$0x3FA0] =	sst s0  }
0x9: {  	[smem:$0x3FA1] =	sst s1  }
0xa: {  	[smem:$0x3FA2] =	sst s2  }
0xb: {  	[smem:$0x3FA3] =	sst s3  }
0xc: {  	[smem:$0x3FA4] =	sst s4  }
0xd: {  	[smem:$0x3FA5] =	sst s5  }
0xe: {  	[smem:$0x3FA6] =	sst s6  }
0xf: {  	[smem:$0x3FA7] =	sst s7  }
0x10: {  	[smem:$0x3FA8] =	sst s8  }
0x11: {  	[smem:$0x3FA9] =	sst s9;
	s0 =	simm.s32 @!p0 $0x0  }
0x12: {  	s1 =	sld [smem:$0x3F8F];
	s0 =	simm.s32 @p0 $0x1  }
0x13: {  	[smem:$0x3FAA] =	sst s0;
	s0 =	simm.s32 @!p1 $0x0  }
0x14: {  	s2 =	sld [smem:$0x3F8E];
	s0 =	simm.s32 @p1 $0x1  }
0x15: {  	[smem:$0x3FAB] =	sst s0;
	s0 =	simm.s32 @!p2 $0x0  }
0x16: {  	s3 =	sld [smem:$0x3FDB];
	s0 =	simm.s32 @p2 $0x1  }
0x17: {  	s4 =	simm.s32 $0x1BF5;
	[smem:$0x3FAD] =	sst s0  }
0x18: {  	s0 =	sld [smem:$0x3F90];
	_ =	swait.ge [sflag:s4], $0x0  }
0x19: {  	s7 =	sld [smem:$0x3F91]  }
0x1a: {  	s8 =	sadd.s32 $0xFFFFE003, lr  }
0x1b: {  	s9 =	sadd.s32 $0xFFFFFEF7, lr;
	s5 =	simm.s32 $0xFFFFFFFF;
	p2 =	slt.u32 s8, $0xFFFFF086  }
0x1c: {  	p1 =	slt.u32 s9, $0xF7A;
	s5 =	simm.s32 @!p2 $0x0  }
0x1d: {  	s5 =	simm.s32 @p1 $0x1;
	p0 =	seq.s32 s7, s2  }
0x1e: {  	s7 =	smul.u32 @!p0 $0xF7A, s2;
	p2 =	seq.s32 @!p0 s5, $0x0  }
0x1f: {  	s9 =	smul.u32 $0xF7A, s1;
	s8 =	simm.s32 @!p0 $0x1BF5;
	p2 =	por !p2, p0  }
0x20: {  	[sflag:s8] =	ssyncset.s32 @!p0 $0xFFFFF086;
	s6 =	sadd.s32 @!p0 s3, s7;
	s7 =	simm.s32 @!p0 $0x108  }
0x21: {  	s3 =	sadd.s32 s3, s9;
	s6 =	sadd.s32 @!p0 $0x88, s6;
	s7 =	simm.s32 @p2 $0x1082  }
0x22: {  	[simem:s7], [sflag:s8] =	dma.local @!p0 [hbm:s6], $0xF7A  }
0x23: {  	s9 =	sor.u32 $0xD0000000, s2;
	s6 =	simm.s32 $0x108;
	_ =	swait.ge @!p0 [sflag:s8], $0x0  }
0x24: {  	s3 =	sadd.s32 $0x88, s3;
	s6 =	simm.s32 @!p1 $0x1082;
	[sflag:s4] =	ssyncset.s32 $0xFFFFF086  }
0x25: {  	[simem:s6], [sflag:s4] =	dma.local [hbm:s3], $0xF7A  }
0x26: {  	[smem:$0x3F91] =	sst s1;
	(tag) =	ssettag s2;
	_ =	strace s9  }
0x27: {  	s1 =	sld [smem:$0x3FA1]  }
0x28: {  	s2 =	sld [smem:$0x3FA2]  }
0x29: {  	s4 =	sld [smem:$0x3FA4]  }
0x2a: {  	p0 =	seq.s32 s5, $0x0;
	s5 =	sld [smem:$0x3FA5]  }
0x2b: {  	s6 =	sld [smem:$0x3FA6]  }
0x2c: {  	s7 =	sld [smem:$0x3FA7]  }
0x2d: {  	s3 =	simm.s32 $0x108;
	s8 =	sld [smem:$0x3FA8]  }
0x2e: {  	s3 =	simm.s32 @!p0 $0x1082;
	s9 =	sld [smem:$0x3FA9]  }
0x2f: {  	lr =	sadd.s32 s0, s3;
	s0 =	sld [smem:$0x3FA0]  }
0x30: {  	s3 =	sld [smem:$0x3FA3]  }
0x31: {  	[smem:$0x3FAC] =	sst s10  }
0x32: {  	s10 =	sld [smem:$0x3FAA];
	_ =	sdelay $0x3  }
0x33: {  	p0 =	seq.s32 s10, $0x1;
	s10 =	sld [smem:$0x3FAC];
	_ =	sdelay $0x3  }
0x34: {  	[smem:$0x3FAC] =	sst s10  }
0x35: {  	s10 =	sld [smem:$0x3FAB];
	_ =	sdelay $0x3  }
0x36: {  	p1 =	seq.s32 s10, $0x1;
	s10 =	sld [smem:$0x3FAC];
	_ =	sdelay $0x3  }
0x37: {  	[smem:$0x3FAC] =	sst s10  }
0x38: {  	s10 =	sld [smem:$0x3FAD]  }
0x39: {  	_ = 	snop;
	(pc) =	sbr.ind lr, $3  }
0x3a: {  	_ = 	snop  }
0x3b: {  	_ = 	snop  }
0x3c: {  	p2 =	seq.s32 s10, $0x1;
	s10 =	sld [smem:$0x3FAC]  }
0x3d: {  	_ =	shalt  }
0x3e: {  	_ =	shalt  }
0x3f: {  	_ =	shalt  }
0x40: {  	_ =	shalt  }
0x41: {  	_ =	shalt  }
0x42: {  	_ =	shalt  }
0x43: {  	_ =	shalt  }
0x44: {  	_ =	shalt  }
0x45: {  	_ =	shalt  }
0x46: {  	_ =	shalt  }
0x47: {  	_ =	shalt  }
0x48: {  	_ =	shalt  }
0x49: {  	_ =	shalt  }
0x4a: {  	_ =	shalt  }
0x4b: {  	_ =	shalt  }
0x4c: {  	_ =	shalt  }
0x4d: {  	_ =	shalt  }
0x4e: {  	_ =	shalt  }
0x4f: {  	_ =	shalt  }
0x50: {  	_ =	shalt  }
0x51: {  	_ =	shalt  }
0x52: {  	_ =	shalt  }
0x53: {  	_ =	shalt  }
0x54: {  	_ =	shalt  }
0x55: {  	_ =	shalt  }
0x56: {  	_ =	shalt  }
0x57: {  	_ =	shalt  }
0x58: {  	_ =	shalt  }
0x59: {  	_ =	shalt  }
0x5a: {  	_ =	shalt  }
0x5b: {  	_ =	shalt  }
0x5c: {  	_ =	shalt  }
0x5d: {  	_ =	shalt  }
0x5e: {  	_ =	shalt  }
0x5f: {  	_ =	shalt  }
0x60: {  	_ =	shalt  }
0x61: {  	_ =	shalt  }
0x62: {  	_ =	shalt  }
0x63: {  	_ =	shalt  }
0x64: {  	_ =	shalt  }
0x65: {  	_ =	shalt  }
0x66: {  	_ =	shalt  }
0x67: {  	_ =	shalt  }
0x68: {  	_ =	shalt  }
0x69: {  	_ =	shalt  }
0x6a: {  	_ =	shalt  }
0x6b: {  	_ =	shalt  }
0x6c: {  	_ =	shalt  }
0x6d: {  	_ =	shalt  }
0x6e: {  	_ =	shalt  }
0x6f: {  	_ =	shalt  }
0x70: {  	_ =	shalt  }
0x71: {  	_ =	shalt  }
0x72: {  	_ =	shalt  }
0x73: {  	_ =	shalt  }
0x74: {  	_ =	shalt  }
0x75: {  	_ =	shalt  }
0x76: {  	_ =	shalt  }
0x77: {  	_ =	shalt  }
0x78: {  	_ =	shalt  }
0x79: {  	_ =	shalt  }
0x7a: {  	_ =	shalt  }
0x7b: {  	_ =	shalt  }
0x7c: {  	_ =	shalt  }
0x7d: {  	_ =	shalt  }
0x7e: {  	_ =	shalt  }
0x7f: {  	_ =	shalt  }
0x80: {  	_ =	shalt  }
0x81: {  	_ =	shalt  }
0x82: {  	_ =	shalt  }
0x83: {  	_ =	shalt  }
0x84: {  	_ =	shalt  }
0x85: {  	_ =	shalt  }
0x86: {  	_ =	shalt  }
0x87: {  	_ =	shalt  }
.Lfunc_end0:
.L_simem_size_0:
called_computation.1_lowered:
.L_overlay_start_0:
0x88: {  	s2 =	sld [smem:$0x3FD9]  }
0x89: {  	s3 =	sld [smem:$0x3FFE];
	_ =	sdelay $0x1  }
0x8a: {  	s1 =	srdreg.scid  }
0x8b: {  	s0 =	sand.u32 $0x1, s1  }
0x8c: {  	s17 =	sshll.u32 s0, $0xA;
	s2 =	sadd.s32 s3, s2  }
0x8d: {  	s2 =	sadd.s32 s2, s17  }
0x8e: {  	[smem:$0x3FB8] =	sst s2  }
0x8f: {  	_ = 	snop  }
0x90: {  	s2 =	sld [smem:$0x3FD0];
	(tm) =	ssettm $0x1  }
0x91: {  	s18 =	sld [smem:$0x3FFB];
	_ =	sdelay $0x3  }
0x92: {  	_ =	strace s18  }
0x93: {  	s3 =	sld [smem:$0x3FFC];
	_ =	sdelay $0x3  }
0x94: {  	_ =	strace s3  }
0x95: {  	s3 =	sld [smem:$0x3FFD];
	_ =	sdelay $0x3  }
0x96: {  	_ =	strace s3  }
0x97: {  	_ =	strace $0x8FFFFFFF  }
0x98: {  	s19 =	sld [smem:$0x3FDB];
	_ =	sdelay $0x1  }
0x99: {  	s4 =	simm.s32 $_scs_section_size  }
0x9a: {  	s5 =	simm.s32 $_size__tile_overlayer_lowered;
	s6 =	simm.s32 $_tile_overlayer_lowered  }
0x9b: {  	s22 =	simm.s32 $0x1BFF;
	s21 =	sshll.u32 s6, $0x1;
	s3 =	sadd.s32 s4, s19  }
0x9c: {  	s7 =	simm.s32 $0x0;
	s20 =	sshll.u32 s5, $0x1;
	s5 =	sadd.s32 s21, s3  }
0x9d: {  	[timem:s7], [sflag:s22] =	dma.local [hbm:s5], s20  }
0x9e: {  	_ =	swait.ge [sflag:s22], s20  }
0x9f: {  	s4 =	ssub.s32 $0x0, s20;
	[sflag:s22] =	ssyncset.done $0x0  }
0xa0: {  	[sflag:s22] =	ssyncadd.s32 s4;
	_ =	sdelay $0x1  }
0xa1: {  	s23 =	simm.s32 $0x1B8B  }
0xa2: {  	_ =	swait.ge [sflag:s23], $0x1  }
0xa3: {  	[sflag:s23] =	ssyncset.done $0x0  }
0xa4: {  	s25 =	simm.s32 $0x1B8E;
	s24 =	sld [smem:$0x3FFE];
	[sflag:s23] =	ssyncadd.s32 $0xFFFFFFFF  }
0xa5: {  	s26 =	simm.s32 $execute0_lowered;
	[smem:$0x3FD2] =	sst s25  }
0xa6: {  	s5 =	sshll.u32 s26, $0x1;
	_ =	strace $0x80000049;
	[dreg:$0x1] =	wrdreg $0xFFFFFFFF  }
0xa7: {  	s28 =	simm.s32 $_size_execute0_lowered;
	s3 =	sadd.s32 s3, s5;
	[dreg:$0x0] =	wrdreg $0x0  }
0xa8: {  	s5 =	sshll.u32 s28, $0x1;
	[dreg:$0x2] =	wrdreg s3  }
0xa9: {  	[dreg:$0x3] =	wrdreg s5  }
0xaa: {  	[dreg:$0x4] =	wrdreg $0xC0  }
0xab: {  	_ =	task [dreg:s7], $0x5FFFF  }
0xac: {  	[dreg:$0x1] =	wrdreg $0xFFFFFFFF  }
0xad: {  	[dreg:$0x0] =	wrdreg $0x60  }
0xae: {  	[dreg:$0x2] =	wrdreg s24  }
0xaf: {  	[dreg:$0x3] =	wrdreg s2  }
0xb0: {  	[dreg:$0x4] =	wrdreg $0x0  }
0xb1: {  	[dreg:$0x5] =	wrdreg $0x9  }
0xb2: {  	_ =	task.clear_ibuf [dreg:s7], $0x6FFFF;
	_ =	strace $0x90000049  }
0xb3: {  	s29 =	simm.s32 $0x9;
	_ =	strace $0x8000004B  }
0xb4: {  	_ =	swait.ge [sflag:s29], $0x1  }
0xb5: {  	[sflag:s29] =	ssyncadd.s32 $0xFFFFFFFF  }
0xb6: {  	_ =	strace $0x9000004B  }
0xb7: {  	_ =	sfence  }
0xb8: {  	s30 =	sld [smem:$0x0];
	_ =	sdelay $0x2  }
0xb9: {  	s31 =	sshll.u32 s1, $0xD;
	s1 =	sshrl.u32 s1, $0x2  }
0xba: {  	s3 =	sand.u32 $0x4000, s31;
	s1 =	sadd.s32 s1, s30  }
0xbb: {  	s0 =	sor.u32 s3, s0;
	s1 =	sshll.u32 s1, $0x11  }
0xbc: {  	s0 =	sor.u32 s1, s0  }
0xbd: {  	s0 =	sadd.s32 $0x8F2B, s0  }
0xbe: {  	[sflag:s0] =	ssyncadd.remote.s32 $0x1  }
0xbf: {  	_ =	sfence.sel $0xFFFF  }
0xc0: {  	[dreg:$0x0] =	wrdreg $0xFFFFFFFF;
	(pc) =	sbr.abs _section_cstart, $3  }
0xc1: {  	[dreg:$0x1] =	wrdreg $0xFFFFFFFF  }
0xc2: {  	_ =	task.clear_ibuf [dreg:s7], $0x2FFFF;
	_ =	strace $0x9FFFFFFF  }
0xc3: {  	(tm) =	ssettm $0x7FFFFFFF  }
tec
execute0_lowered:
.L_overlay_start_1:
0x0: {  	(tag) =	ssettag $0x1  }
0x1: {  	s0 =	rddreg [dreg:$0x0]  }
0x2: {  	s2 =	rddreg [dreg:$0x2];
	s3 =	simm.s32 $0x0;
	s4 =	srdreg.scid  }
0x3: {  	s18 =	stileid.u32;
	s19 =	simm.s32 $0x3;
	s20 =	simm.s32 $0x1  }
0x4: {  	s21 =	simm.s32 $0x17900;
	s22 =	simm.s32 $0x80;
	s23 =	simm.s32 $0x13900  }
0x5: {  	s30 =	simm.s32 $0x0;
	[smem:$0x7FF] =	sst s3;
	s1 =	sadd.s32 $0x18F6E00, s0  }
0x6: {  	s5 =	sadd.s32 $0x1DD8E00, s0;
	s4 =	sand.u32 $0x1, s4;
	s13 =	smul.u32 $0x4E20, s18  }
0x7: {  	s6 =	sadd.s32 $0xDC00, s0;
	s8 =	sadd.s32 $0x17A00, s0;
	s9 =	smul.u32 $0x4E200, s18  }
0x8: {  	s0 =	sadd.s32 $0x8CE00, s0;
	p1 =	seq.s32 s18, $0x0;
	s16 =	smul.u32 $0x9C4, s18  }
0x9: {  	p2 =	sne.s32 s18, $0x0;
	_ =	strace $0x8000004A;
	[dreg:$0x4] =	wrdreg s8  }
0xa: {  	s7 =	ssub.s32 $0x2, s4;
	[dreg:$0x5] =	wrdreg s0;
	p0 =	seq.s32 s4, $0x1  }
0xb: {  	s17 =	sor.u32 s4, s18;
	p3 =	sne.s32 s4, $0x0;
	s18 =	simm.s32 $0x13880  }
0xc: {  	s24 =	sshrl.u32 s7, $0x1;
	s25 =	sshrl.u32 s13, $0x3;
	s11 =	sadd.s32 $0x4E00, s13  }
0xd: {  	s8 =	sadd.s32 s1, s9;
	s9 =	sadd.s32 s5, s9;
	p1 =	por !p1, !p0  }
0xe: {  	s15 =	sadd.s32 $0x4D80, s13;
	p4 =	sne.s32 s17, $0x0;
	s0 =	ssub.s32 s7, s24  }
0xf: {  	s7 =	sadd.s32 s6, s25;
	s10 =	sshrl.u32 s11, $0x3;
	s12 =	sshll.u32 s11, $0x4  }
0x10: {  	p1 =	por !p1, !p1;
	s29 =	sshrl.u32 s15, $0x3;
	s31 =	sshll.u32 s15, $0x4  }
0x11: {  	s24 =	simm.s32 $0x2;
	s25 =	simm.s32 $0x17980;
	[dreg:$0x6] =	wrdreg s7  }
0x12: {  	s26 =	sadd.s32 s6, s10;
	s28 =	sadd.s32 s1, s12;
	s12 =	sadd.s32 s5, s12  }
0x13: {  	s13 =	smax.u32 s0, $0x1;
	s14 =	sadd.s32 s6, s29;
	s6 =	sadd.s32 s16, s6  }
0x14: {  	s15 =	sadd.s32 s1, s31;
	s16 =	sadd.s32 s5, s31;
	[dreg:$0x7] =	wrdreg s26  }
0x15: {  	[dreg:$0x8] =	wrdreg s28;
	s6 =	sadd.s32 $0x20, s6;
	s26 =	simm.s32 $0x1B980  }
.LBB2_1:
0x16: {  	s0 =	sshrl.u32 @!p2 s2, $0x3;
	s1 =	simm.s32 @!p2 $0x1C03;
	s4 =	rddreg [dreg:$0x1]  }
0x17: {  	[spmem:s0], [sflag:s1] =	dma.local @!p2 [hbm:s4], $0x27100  }
0x18: {  	s0 =	simm.s32 @!p2 $0x3  }
0x19: {  	_ =	swait.ge @!p2 [sflag:s0], $0x27100  }
0x1a: {  	[sflag:s0] =	ssyncset.done @!p2 $0x0  }
0x1b: {  	[sflag:s0] =	ssyncadd.s32 @!p2 $0xFFFD8F00  }
0x1c: {  	[bflag:$0x0] =	sbarrier.arrive $0xFFFF  }
0x1d: {  	s17 =	rddreg [dreg:$0x6]  }
0x1e: {  	[tilespmem:s18], [sflag:$0x3] =	stream.linear.gather [hbm4b:s17+s3], $0x80, $0x38;
	[tilespmem:$0x1CA00] =	vst v63  }
0x1f: {  	_ =	swait.ge [sflag:s19], $0x80  }
0x20: {  	[sflag:s19] =	ssyncset.done $0x0  }
0x21: {  	s31 =	simm.s32 @!p3 $0x0;
	s0 =	simm.s32 @!p3 $0x13900;
	[sflag:s19] =	ssyncadd.s32 $0xFFFFFF80  }
0x22: {  	[tilespmem:s0], [sflag:$0x1] =	stream.linear.gather @!p3 [hbm4b:s8+s31], $0x4000, $0x38;
	[tilespmem:$0x1CA00] =	vst v63  }
0x23: {  	s1 =	simm.s32 @p0 $0x0;
	s4 =	simm.s32 @p0 $0x13900  }
0x24: {  	[tilespmem:s4], [sflag:$0x1] =	stream.linear.gather @p0 [hbm4b:s9+s1], $0x4000, $0x38;
	[tilespmem:$0x1CA00] =	vst v63  }
0x25: {  	_ =	swait.ge [sflag:s20], $0x4000  }
0x26: {  	[sflag:s20] =	ssyncset.done $0x0  }
0x27: {  	s5 =	sadd.s32 $0xFFFFFFF0, s6;
	[sflag:s20] =	ssyncadd.s32 $0xFFFFC000  }
0x28: {  	[tilespmem:s21], [sflag:$0x3] =	stream.linear.gather [hbm4b:s5+s3], $0x80, $0x38;
	[tilespmem:$0x1CA00] =	vst v63  }
0x29: {  	_ =	swait.ge [sflag:s19], $0x80  }
0x2a: {  	s28 =	simm.s32 @!p3 $0x17980;
	s5 =	sadd.s32 @!p3 $0x0, s8;
	[sflag:s19] =	ssyncset.done $0x0  }
0x2b: {  	s17 =	sadd.s32 @p0 $0x0, s9;
	s29 =	sadd.s32 @!p3 $0x800, s5;
	[sflag:s19] =	ssyncadd.s32 $0xFFFFFF80  }
0x2c: {  	[tilespmem:s28], [sflag:$0x2] =	stream.linear.gather @!p3 [hbm4b:s29+s31], $0x4000, $0x38;
	[tilespmem:$0x1CA00] =	vst v63  }
0x2d: {  	s7 =	sadd.s32 @p0 $0x800, s17;
	s29 =	simm.s32 @p0 $0x17980  }
0x2e: {  	[tilespmem:s29], [sflag:$0x2] =	stream.linear.gather @p0 [hbm4b:s7+s1], $0x4000, $0x38;
	[tilespmem:$0x1CA00] =	vst v63  }
0x2f: {  	_ = 	snop  }
0x30: {  	[spmem:s2] =	stream.indirect.scatter.add.f32 [tilespmem:s23], [sflag:$0x3], $0x80, s18, s22, $0xb8;
	[tilespmem:$0x1CA00] =	vst v63  }
0x31: {  	_ =	swait.ge [sflag:s19], $0x4000  }
0x32: {  	[sflag:s19] =	ssyncset.done $0x0  }
0x33: {  	[sflag:s19] =	ssyncadd.s32 $0xFFFFC000  }
0x34: {  	_ =	swait.ge [sflag:s24], $0x4000  }
0x35: {  	[sflag:s24] =	ssyncset.done $0x0  }
0x36: {  	[sflag:s24] =	ssyncadd.s32 $0xFFFFC000  }
0x37: {  	[tilespmem:s18], [sflag:$0x3] =	stream.linear.gather [hbm4b:s6+s3], $0x80, $0x38;
	[tilespmem:$0x1CA00] =	vst v63  }
0x38: {  	_ =	swait.ge [sflag:s19], $0x80  }
0x39: {  	[sflag:s19] =	ssyncset.done $0x0  }
0x3a: {  	s5 =	sadd.s32 @!p3 $0x1000, s5;
	[sflag:s19] =	ssyncadd.s32 $0xFFFFFF80  }
0x3b: {  	[tilespmem:s0], [sflag:$0x1] =	stream.linear.gather @!p3 [hbm4b:s5+s31], $0x4000, $0x38;
	[tilespmem:$0x1CA00] =	vst v63  }
0x3c: {  	s5 =	sadd.s32 @p0 $0x1000, s17  }
0x3d: {  	[tilespmem:s4], [sflag:$0x1] =	stream.linear.gather @p0 [hbm4b:s5+s1], $0x4000, $0x38;
	[tilespmem:$0x1CA00] =	vst v63  }
0x3e: {  	_ = 	snop  }
0x3f: {  	[spmem:s2] =	stream.indirect.scatter.add.f32 [tilespmem:s25], [sflag:$0x3], $0x80, s21, s22, $0xb8;
	[tilespmem:$0x1CA00] =	vst v63  }
0x40: {  	_ =	swait.ge [sflag:s19], $0x4000  }
0x41: {  	s17 =	smov.u32 s6;
	s5 =	simm.s32 $0x1000;
	[sflag:s19] =	ssyncset.done $0x0  }
.LBB2_2:
0x42: {  	[sflag:s19] =	ssyncadd.s32 $0xFFFFC000  }
0x43: {  	s17 =	sadd.s32 $0x20, s17;
	s7 =	smov.u32 s5;
	s5 =	sadd.s32 $0x1000, s5  }
0x44: {  	p5 =	sne.s32 s5, $0x4D000  }
0x45: {  	_ =	swait.ge [sflag:s20], $0x4000  }
0x46: {  	[sflag:s20] =	ssyncset.done $0x0  }
0x47: {  	s10 =	sadd.s32 $0xFFFFFFF0, s17;
	[sflag:s20] =	ssyncadd.s32 $0xFFFFC000  }
0x48: {  	[tilespmem:s21], [sflag:$0x3] =	stream.linear.gather [hbm4b:s10+s3], $0x80, $0x38;
	[tilespmem:$0x1CA00] =	vst v63  }
0x49: {  	_ =	swait.ge [sflag:s19], $0x80  }
0x4a: {  	s10 =	sadd.s32 @!p3 s7, s8;
	s7 =	sadd.s32 @p0 s7, s9;
	[sflag:s19] =	ssyncset.done $0x0  }
0x4b: {  	s11 =	sadd.s32 @!p3 $0x800, s10;
	[sflag:s19] =	ssyncadd.s32 $0xFFFFFF80  }
0x4c: {  	[tilespmem:s28], [sflag:$0x2] =	stream.linear.gather @!p3 [hbm4b:s11+s31], $0x4000, $0x38;
	[tilespmem:$0x1CA00] =	vst v63  }
0x4d: {  	s11 =	sadd.s32 @p0 $0x800, s7  }
0x4e: {  	[tilespmem:s29], [sflag:$0x2] =	stream.linear.gather @p0 [hbm4b:s11+s1], $0x4000, $0x38;
	[tilespmem:$0x1CA00] =	vst v63  }
0x4f: {  	_ = 	snop  }
0x50: {  	[spmem:s2] =	stream.indirect.scatter.add.f32 [tilespmem:s23], [sflag:$0x3], $0x80, s18, s22, $0xb8;
	[tilespmem:$0x1CA00] =	vst v63  }
0x51: {  	_ =	swait.ge [sflag:s19], $0x4000  }
0x52: {  	[sflag:s19] =	ssyncset.done $0x0  }
0x53: {  	[sflag:s19] =	ssyncadd.s32 $0xFFFFC000  }
0x54: {  	_ =	swait.ge [sflag:s24], $0x4000  }
0x55: {  	[sflag:s24] =	ssyncset.done $0x0  }
0x56: {  	[sflag:s24] =	ssyncadd.s32 $0xFFFFC000  }
0x57: {  	[tilespmem:s18], [sflag:$0x3] =	stream.linear.gather [hbm4b:s17+s3], $0x80, $0x38;
	[tilespmem:$0x1CA00] =	vst v63  }
0x58: {  	_ =	swait.ge [sflag:s19], $0x80  }
0x59: {  	[sflag:s19] =	ssyncset.done $0x0  }
0x5a: {  	s10 =	sadd.s32 @!p3 $0x1000, s10;
	[sflag:s19] =	ssyncadd.s32 $0xFFFFFF80  }
0x5b: {  	[tilespmem:s0], [sflag:$0x1] =	stream.linear.gather @!p3 [hbm4b:s10+s31], $0x4000, $0x38;
	[tilespmem:$0x1CA00] =	vst v63  }
0x5c: {  	s7 =	sadd.s32 @p0 $0x1000, s7  }
0x5d: {  	[tilespmem:s4], [sflag:$0x1] =	stream.linear.gather @p0 [hbm4b:s7+s1], $0x4000, $0x38;
	[tilespmem:$0x1CA00] =	vst v63  }
.Ltmp0:
0x5e: {  	_ = 	snop;
	(pc) =	sbr.rel @p5 .LBB2_2-.Ltmp0, $4  }
0x5f: {  	_ = 	snop  }
0x60: {  	[spmem:s2] =	stream.indirect.scatter.add.f32 [tilespmem:s25], [sflag:$0x3], $0x80, s21, s22, $0xb8;
	[tilespmem:$0x1CA00] =	vst v63  }
0x61: {  	_ =	swait.ge [sflag:s19], $0x4000  }
0x62: {  	[sflag:s19] =	ssyncset.done $0x0  }
0x63: {  	[sflag:s19] =	ssyncadd.s32 $0xFFFFC000  }
0x64: {  	_ =	swait.ge [sflag:s20], $0x4000  }
0x65: {  	[sflag:s20] =	ssyncset.done $0x0  }
0x66: {  	[sflag:s20] =	ssyncadd.s32 $0xFFFFC000  }
0x67: {  	[tilespmem:s21], [sflag:$0x3] =	stream.linear.gather [hbm4b:s14+s3], $0x80, $0x38;
	[tilespmem:$0x1CA00] =	vst v63  }
0x68: {  	_ =	swait.ge [sflag:s19], $0x80  }
0x69: {  	[sflag:s19] =	ssyncset.done $0x0  }
0x6a: {  	s0 =	simm.s32 @!p3 $0x0;
	[sflag:s19] =	ssyncadd.s32 $0xFFFFFF80  }
0x6b: {  	[tilespmem:s28], [sflag:$0x2] =	stream.linear.gather @!p3 [hbm4b:s15+s0], $0x4000, $0x38;
	[tilespmem:$0x1CA00] =	vst v63  }
0x6c: {  	s1 =	simm.s32 @p0 $0x0  }
0x6d: {  	[tilespmem:s29], [sflag:$0x2] =	stream.linear.gather @p0 [hbm4b:s16+s1], $0x4000, $0x38;
	[tilespmem:$0x1CA00] =	vst v63  }
0x6e: {  	_ = 	snop  }
0x6f: {  	[spmem:s2] =	stream.indirect.scatter.add.f32 [tilespmem:s23], [sflag:$0x3], $0x80, s18, s22, $0xb8;
	[tilespmem:$0x1CA00] =	vst v63  }
0x70: {  	_ =	swait.ge [sflag:s19], $0x4000  }
0x71: {  	[sflag:s19] =	ssyncset.done $0x0  }
0x72: {  	[sflag:s19] =	ssyncadd.s32 $0xFFFFC000  }
0x73: {  	_ =	swait.ge [sflag:s24], $0x4000  }
0x74: {  	[sflag:s24] =	ssyncset.done $0x0  }
0x75: {  	[sflag:s24] =	ssyncadd.s32 $0xFFFFC000  }
0x76: {  	[spmem:s2] =	stream.indirect.scatter.add.f32 [tilespmem:s25], [sflag:$0x3], $0x80, s21, s22, $0xb8;
	[tilespmem:$0x1CA00] =	vst v63  }
0x77: {  	_ =	swait.ge [sflag:s19], $0x4000  }
0x78: {  	[sflag:s19] =	ssyncset.done $0x0  }
0x79: {  	s4 =	rddreg [dreg:$0x7];
	[sflag:s19] =	ssyncadd.s32 $0xFFFFC000  }
0x7a: {  	[tilespmem:s26], [sflag:$0x3] =	stream.linear.gather [hbm4b:s4+s3], $0x20, $0x38;
	[tilespmem:$0x1CA00] =	vst v63  }
0x7b: {  	_ =	swait.ge [sflag:s19], $0x20  }
0x7c: {  	[sflag:s19] =	ssyncset.done $0x0  }
0x7d: {  	s4 =	simm.s32 @!p3 $0x1BA00;
	s5 =	rddreg [dreg:$0x8];
	[sflag:s19] =	ssyncadd.s32 $0xFFFFFFE0  }
0x7e: {  	[tilespmem:s4], [sflag:$0x3] =	stream.linear.gather @!p3 [hbm4b:s5+s0], $0x1000, $0x38;
	[tilespmem:$0x1CA00] =	vst v63  }
0x7f: {  	s0 =	simm.s32 @!p3 $0x3  }
0x80: {  	_ =	swait.ge @!p3 [sflag:s0], $0x1000  }
0x81: {  	[sflag:s0] =	ssyncset.done @!p3 $0x0  }
0x82: {  	[sflag:s0] =	ssyncadd.s32 @!p3 $0xFFFFF000;
	s0 =	simm.s32 @p0 $0x1BA00  }
0x83: {  	[tilespmem:s0], [sflag:$0x3] =	stream.linear.gather @p0 [hbm4b:s12+s1], $0x1000, $0x38;
	[tilespmem:$0x1CA00] =	vst v63  }
0x84: {  	s0 =	simm.s32 @p0 $0x3  }
0x85: {  	_ =	swait.ge @p0 [sflag:s0], $0x1000  }
0x86: {  	[sflag:s0] =	ssyncset.done @p0 $0x0  }
0x87: {  	s31 =	simm.s32 $0x1BA00;
	s29 =	simm.s32 $0x20;
	[sflag:s0] =	ssyncadd.s32 @p0 $0xFFFFF000  }
0x88: {  	[spmem:s2] =	stream.indirect.scatter.add.f32 [tilespmem:s31], [sflag:$0x3], $0x80, s26, s29, $0xb8;
	[tilespmem:$0x1CA00] =	vst v63  }
0x89: {  	_ =	swait.ge [sflag:s19], $0x1000  }
0x8a: {  	[sflag:s19] =	ssyncset.done $0x0  }
0x8b: {  	s0 =	stileid.u32;
	[sflag:s19] =	ssyncadd.s32 $0xFFFFF000  }
0x8c: {  	s0 =	sshll.u32 @!p4 s0, $0x6;
	[bflag:$0x0] =	sbarrier.arrive $0xFFFF  }
0x8d: {  	s1 =	sshrl.u32 @!p4 s2, $0x3;
	s0 =	sor.u32 @!p4 $0x1C03, s0;
	s4 =	rddreg [dreg:$0x4]  }
0x8e: {  	[hbm:s4], [sflag:s0] =	dma.local @!p4 [spmem:s1], $0x27100  }
0x8f: {  	s0 =	simm.s32 @!p4 $0x3  }
0x90: {  	s30 =	sadd.s32 $0x1, s30;
	_ =	swait.ge @!p4 [sflag:s0], $0x27100  }
0x91: {  	p5 =	sne.s32 s30, s13;
	s1 =	simm.s32 @p1 $0x1C03;
	[sflag:s0] =	ssyncset.done @!p4 $0x0  }
0x92: {  	s4 =	rddreg [dreg:$0x5];
	[sflag:s0] =	ssyncadd.s32 @!p4 $0xFFFD8F00;
	s0 =	sshrl.u32 @p1 s2, $0x3  }
0x93: {  	[hbm:s4], [sflag:s1] =	dma.local @p1 [spmem:s0], $0x27100  }
.Ltmp1:
0x94: {  	_ = 	snop;
	(pc) =	sbr.rel @p5 .LBB2_1-.Ltmp1, $4  }
0x95: {  	s0 =	simm.s32 @p1 $0x3  }
0x96: {  	_ =	swait.ge @p1 [sflag:s0], $0x27100  }
0x97: {  	[sflag:s0] =	ssyncset.done @p1 $0x0  }
0x98: {  	[sflag:s0] =	ssyncadd.s32 @p1 $0xFFFD8F00  }
0x99: {  	_ =	sfence.sel $0x180000  }
0x9a: {  	[bflag:$0x0] =	sbarrier.arrive $0xFFFF  }
0x9b: {  	_ =	strace $0x9000004A  }
0x9c: {  	[bflag:$0x2] =	sbarrier.arrive $0xFFFF  }
0x9d: {  	s0 =	rddreg [dreg:$0x3]  }
0x9e: {  	s0 =	sadd.s32 @!p2 $0x100000, s0  }
0x9f: {  	[sflag:s0] =	ssyncadd.tile.s32 @!p2 $0x1;
	_ =	shalt  }
.Lfunc_end2:
_tile_overlayer_lowered:
.L_overlay_start_2:
0xa0: {  	(tag) =	ssettag $0x2  }
0xa1: {  	s0 =	rddreg [dreg:$0x0];
	s2 =	stileid.u32  }
0xa2: {  	s1 =	rddreg [dreg:$0x1];
	p0 =	sne.s32 s2, $0x0  }
0xa3: {  	s3 =	rddreg [dreg:$0x2];
	[bflag:$0x3] =	sbarrier.arrive $0xFFFF;
	s2 =	simm.s32 @!p0 $0x1C03  }
0xa4: {  	[timem:s3], [sflag:s2] =	dma.local @!p0 [hbm:s0], s1  }
0xa5: {  	s0 =	simm.s32 @!p0 $0x3  }
0xa6: {  	_ =	swait.ge @!p0 [sflag:s0], s1  }
0xa7: {  	s1 =	ssub.s32 @!p0 $0x0, s1;
	[sflag:s0] =	ssyncset.done @!p0 $0x0  }
0xa8: {  	[sflag:s0] =	ssyncadd.s32 @!p0 s1  }
0xa9: {  	[bflag:$0x3] =	sbarrier.arrive $0xFFFF  }
0xaa: {  	_ =	shalt  }

// kernel: kernel.7.cloned.1.call-start
scs
__scs_entry_jumppad:
0x0: {  	(pc) =	sbr.rel $0x88, $3  }
0x1: {  	(tag) =	ssettag $0x0;
	lr =	simm.s32 $0x1  }
0x2: {  	[smem:$0x3F91] =	sst lr;
	_ =	strace $0xD0000000  }
0x3: {  	_ = 	snop  }
0x4: {  	_ = 	snop  }
0x5: {  	_ = 	snop  }
0x6: {  	_ = 	snop  }
0x7: {  	_ = 	snop  }
__scs_overlays_trampoline_lowered:
0x8: {  	[smem:$0x3FA0] =	sst s0  }
0x9: {  	[smem:$0x3FA1] =	sst s1  }
0xa: {  	[smem:$0x3FA2] =	sst s2  }
0xb: {  	[smem:$0x3FA3] =	sst s3  }
0xc: {  	[smem:$0x3FA4] =	sst s4  }
0xd: {  	[smem:$0x3FA5] =	sst s5  }
0xe: {  	[smem:$0x3FA6] =	sst s6  }
0xf: {  	[smem:$0x3FA7] =	sst s7  }
0x10: {  	[smem:$0x3FA8] =	sst s8  }
0x11: {  	[smem:$0x3FA9] =	sst s9;
	s0 =	simm.s32 @!p0 $0x0  }
0x12: {  	s1 =	sld [smem:$0x3F8F];
	s0 =	simm.s32 @p0 $0x1  }
0x13: {  	[smem:$0x3FAA] =	sst s0;
	s0 =	simm.s32 @!p1 $0x0  }
0x14: {  	s2 =	sld [smem:$0x3F8E];
	s0 =	simm.s32 @p1 $0x1  }
0x15: {  	[smem:$0x3FAB] =	sst s0;
	s0 =	simm.s32 @!p2 $0x0  }
0x16: {  	s3 =	sld [smem:$0x3FDB];
	s0 =	simm.s32 @p2 $0x1  }
0x17: {  	s4 =	simm.s32 $0x1BF5;
	[smem:$0x3FAD] =	sst s0  }
0x18: {  	s0 =	sld [smem:$0x3F90];
	_ =	swait.ge [sflag:s4], $0x0  }
0x19: {  	s7 =	sld [smem:$0x3F91]  }
0x1a: {  	s8 =	sadd.s32 $0xFFFFE003, lr  }
0x1b: {  	s9 =	sadd.s32 $0xFFFFFEF7, lr;
	s5 =	simm.s32 $0xFFFFFFFF;
	p2 =	slt.u32 s8, $0xFFFFF086  }
0x1c: {  	p1 =	slt.u32 s9, $0xF7A;
	s5 =	simm.s32 @!p2 $0x0  }
0x1d: {  	s5 =	simm.s32 @p1 $0x1;
	p0 =	seq.s32 s7, s2  }
0x1e: {  	s7 =	smul.u32 @!p0 $0xF7A, s2;
	p2 =	seq.s32 @!p0 s5, $0x0  }
0x1f: {  	s9 =	smul.u32 $0xF7A, s1;
	s8 =	simm.s32 @!p0 $0x1BF5;
	p2 =	por !p2, p0  }
0x20: {  	[sflag:s8] =	ssyncset.s32 @!p0 $0xFFFFF086;
	s6 =	sadd.s32 @!p0 s3, s7;
	s7 =	simm.s32 @!p0 $0x108  }
0x21: {  	s3 =	sadd.s32 s3, s9;
	s6 =	sadd.s32 @!p0 $0x88, s6;
	s7 =	simm.s32 @p2 $0x1082  }
0x22: {  	[simem:s7], [sflag:s8] =	dma.local @!p0 [hbm:s6], $0xF7A  }
0x23: {  	s9 =	sor.u32 $0xD0000000, s2;
	s6 =	simm.s32 $0x108;
	_ =	swait.ge @!p0 [sflag:s8], $0x0  }
0x24: {  	s3 =	sadd.s32 $0x88, s3;
	s6 =	simm.s32 @!p1 $0x1082;
	[sflag:s4] =	ssyncset.s32 $0xFFFFF086  }
0x25: {  	[simem:s6], [sflag:s4] =	dma.local [hbm:s3], $0xF7A  }
0x26: {  	[smem:$0x3F91] =	sst s1;
	(tag) =	ssettag s2;
	_ =	strace s9  }
0x27: {  	s1 =	sld [smem:$0x3FA1]  }
0x28: {  	s2 =	sld [smem:$0x3FA2]  }
0x29: {  	s4 =	sld [smem:$0x3FA4]  }
0x2a: {  	p0 =	seq.s32 s5, $0x0;
	s5 =	sld [smem:$0x3FA5]  }
0x2b: {  	s6 =	sld [smem:$0x3FA6]  }
0x2c: {  	s7 =	sld [smem:$0x3FA7]  }
0x2d: {  	s3 =	simm.s32 $0x108;
	s8 =	sld [smem:$0x3FA8]  }
0x2e: {  	s3 =	simm.s32 @!p0 $0x1082;
	s9 =	sld [smem:$0x3FA9]  }
0x2f: {  	lr =	sadd.s32 s0, s3;
	s0 =	sld [smem:$0x3FA0]  }
0x30: {  	s3 =	sld [smem:$0x3FA3]  }
0x31: {  	[smem:$0x3FAC] =	sst s10  }
0x32: {  	s10 =	sld [smem:$0x3FAA];
	_ =	sdelay $0x3  }
0x33: {  	p0 =	seq.s32 s10, $0x1;
	s10 =	sld [smem:$0x3FAC];
	_ =	sdelay $0x3  }
0x34: {  	[smem:$0x3FAC] =	sst s10  }
0x35: {  	s10 =	sld [smem:$0x3FAB];
	_ =	sdelay $0x3  }
0x36: {  	p1 =	seq.s32 s10, $0x1;
	s10 =	sld [smem:$0x3FAC];
	_ =	sdelay $0x3  }
0x37: {  	[smem:$0x3FAC] =	sst s10  }
0x38: {  	s10 =	sld [smem:$0x3FAD]  }
0x39: {  	_ = 	snop;
	(pc) =	sbr.ind lr, $3  }
0x3a: {  	_ = 	snop  }
0x3b: {  	_ = 	snop  }
0x3c: {  	p2 =	seq.s32 s10, $0x1;
	s10 =	sld [smem:$0x3FAC]  }
0x3d: {  	_ =	shalt  }
0x3e: {  	_ =	shalt  }
0x3f: {  	_ =	shalt  }
0x40: {  	_ =	shalt  }
0x41: {  	_ =	shalt  }
0x42: {  	_ =	shalt  }
0x43: {  	_ =	shalt  }
0x44: {  	_ =	shalt  }
0x45: {  	_ =	shalt  }
0x46: {  	_ =	shalt  }
0x47: {  	_ =	shalt  }
0x48: {  	_ =	shalt  }
0x49: {  	_ =	shalt  }
0x4a: {  	_ =	shalt  }
0x4b: {  	_ =	shalt  }
0x4c: {  	_ =	shalt  }
0x4d: {  	_ =	shalt  }
0x4e: {  	_ =	shalt  }
0x4f: {  	_ =	shalt  }
0x50: {  	_ =	shalt  }
0x51: {  	_ =	shalt  }
0x52: {  	_ =	shalt  }
0x53: {  	_ =	shalt  }
0x54: {  	_ =	shalt  }
0x55: {  	_ =	shalt  }
0x56: {  	_ =	shalt  }
0x57: {  	_ =	shalt  }
0x58: {  	_ =	shalt  }
0x59: {  	_ =	shalt  }
0x5a: {  	_ =	shalt  }
0x5b: {  	_ =	shalt  }
0x5c: {  	_ =	shalt  }
0x5d: {  	_ =	shalt  }
0x5e: {  	_ =	shalt  }
0x5f: {  	_ =	shalt  }
0x60: {  	_ =	shalt  }
0x61: {  	_ =	shalt  }
0x62: {  	_ =	shalt  }
0x63: {  	_ =	shalt  }
0x64: {  	_ =	shalt  }
0x65: {  	_ =	shalt  }
0x66: {  	_ =	shalt  }
0x67: {  	_ =	shalt  }
0x68: {  	_ =	shalt  }
0x69: {  	_ =	shalt  }
0x6a: {  	_ =	shalt  }
0x6b: {  	_ =	shalt  }
0x6c: {  	_ =	shalt  }
0x6d: {  	_ =	shalt  }
0x6e: {  	_ =	shalt  }
0x6f: {  	_ =	shalt  }
0x70: {  	_ =	shalt  }
0x71: {  	_ =	shalt  }
0x72: {  	_ =	shalt  }
0x73: {  	_ =	shalt  }
0x74: {  	_ =	shalt  }
0x75: {  	_ =	shalt  }
0x76: {  	_ =	shalt  }
0x77: {  	_ =	shalt  }
0x78: {  	_ =	shalt  }
0x79: {  	_ =	shalt  }
0x7a: {  	_ =	shalt  }
0x7b: {  	_ =	shalt  }
0x7c: {  	_ =	shalt  }
0x7d: {  	_ =	shalt  }
0x7e: {  	_ =	shalt  }
0x7f: {  	_ =	shalt  }
0x80: {  	_ =	shalt  }
0x81: {  	_ =	shalt  }
0x82: {  	_ =	shalt  }
0x83: {  	_ =	shalt  }
0x84: {  	_ =	shalt  }
0x85: {  	_ =	shalt  }
0x86: {  	_ =	shalt  }
0x87: {  	_ =	shalt  }
.Lfunc_end0:
.L_simem_size_0:
called_computation_lowered:
.L_overlay_start_0:
0x88: {  	s2 =	sld [smem:$0x3FD9]  }
0x89: {  	s3 =	sld [smem:$0x3FFE];
	_ =	sdelay $0x1  }
0x8a: {  	s1 =	srdreg.scid  }
0x8b: {  	s0 =	sand.u32 $0x1, s1  }
0x8c: {  	s17 =	sshll.u32 s0, $0xA;
	s2 =	sadd.s32 s3, s2  }
0x8d: {  	s2 =	sadd.s32 s2, s17  }
0x8e: {  	[smem:$0x3FB8] =	sst s2  }
0x8f: {  	_ = 	snop  }
0x90: {  	s2 =	sld [smem:$0x3FD0];
	(tm) =	ssettm $0x1  }
0x91: {  	s18 =	sld [smem:$0x3FFB];
	_ =	sdelay $0x3  }
0x92: {  	_ =	strace s18  }
0x93: {  	s3 =	sld [smem:$0x3FFC];
	_ =	sdelay $0x3  }
0x94: {  	_ =	strace s3  }
0x95: {  	s3 =	sld [smem:$0x3FFD];
	_ =	sdelay $0x3  }
0x96: {  	_ =	strace s3  }
0x97: {  	_ =	strace $0x8FFFFFFF  }
0x98: {  	s19 =	sld [smem:$0x3FDB];
	_ =	sdelay $0x1  }
0x99: {  	s4 =	simm.s32 $_scs_section_size  }
0x9a: {  	s5 =	simm.s32 $_size__tile_overlayer_lowered;
	s6 =	simm.s32 $_tile_overlayer_lowered  }
0x9b: {  	s22 =	simm.s32 $0x1BFF;
	s21 =	sshll.u32 s6, $0x1;
	s3 =	sadd.s32 s4, s19  }
0x9c: {  	s7 =	simm.s32 $0x0;
	s20 =	sshll.u32 s5, $0x1;
	s5 =	sadd.s32 s21, s3  }
0x9d: {  	[timem:s7], [sflag:s22] =	dma.local [hbm:s5], s20  }
0x9e: {  	_ =	swait.ge [sflag:s22], s20  }
0x9f: {  	s4 =	ssub.s32 $0x0, s20;
	[sflag:s22] =	ssyncset.done $0x0  }
0xa0: {  	[sflag:s22] =	ssyncadd.s32 s4;
	_ =	sdelay $0x1  }
0xa1: {  	s23 =	simm.s32 $0x1B8B  }
0xa2: {  	_ =	swait.ge [sflag:s23], $0x1  }
0xa3: {  	[sflag:s23] =	ssyncset.done $0x0  }
0xa4: {  	s25 =	simm.s32 $0x1B8E;
	s24 =	sld [smem:$0x3FFE];
	[sflag:s23] =	ssyncadd.s32 $0xFFFFFFFF  }
0xa5: {  	s26 =	simm.s32 $execute0_lowered;
	[smem:$0x3FD2] =	sst s25  }
0xa6: {  	s5 =	sshll.u32 s26, $0x1;
	_ =	strace $0x80000046;
	[dreg:$0x1] =	wrdreg $0xFFFFFFFF  }
0xa7: {  	s28 =	simm.s32 $_size_execute0_lowered;
	s3 =	sadd.s32 s3, s5;
	[dreg:$0x0] =	wrdreg $0x0  }
0xa8: {  	s5 =	sshll.u32 s28, $0x1;
	[dreg:$0x2] =	wrdreg s3  }
0xa9: {  	[dreg:$0x3] =	wrdreg s5  }
0xaa: {  	[dreg:$0x4] =	wrdreg $0xC0  }
0xab: {  	_ =	task [dreg:s7], $0x5FFFF  }
0xac: {  	[dreg:$0x1] =	wrdreg $0xFFFFFFFF  }
0xad: {  	[dreg:$0x0] =	wrdreg $0x60  }
0xae: {  	[dreg:$0x2] =	wrdreg s2  }
0xaf: {  	[dreg:$0x3] =	wrdreg s24  }
0xb0: {  	[dreg:$0x4] =	wrdreg $0x9  }
0xb1: {  	_ =	task.clear_ibuf [dreg:s7], $0x5FFFF;
	_ =	strace $0x90000046  }
0xb2: {  	s29 =	simm.s32 $0x9;
	_ =	strace $0x80000048  }
0xb3: {  	_ =	swait.ge [sflag:s29], $0x1  }
0xb4: {  	[sflag:s29] =	ssyncadd.s32 $0xFFFFFFFF  }
0xb5: {  	_ =	strace $0x90000048  }
0xb6: {  	_ =	sfence  }
0xb7: {  	s30 =	sld [smem:$0x0];
	_ =	sdelay $0x2  }
0xb8: {  	s31 =	sshll.u32 s1, $0xD;
	s1 =	sshrl.u32 s1, $0x2  }
0xb9: {  	s3 =	sand.u32 $0x4000, s31;
	s1 =	sadd.s32 s1, s30  }
0xba: {  	s0 =	sor.u32 s3, s0;
	s1 =	sshll.u32 s1, $0x11  }
0xbb: {  	s0 =	sor.u32 s1, s0  }
0xbc: {  	s0 =	sadd.s32 $0x8F2B, s0  }
0xbd: {  	[sflag:s0] =	ssyncadd.remote.s32 $0x1  }
0xbe: {  	_ =	sfence.sel $0xFFFF  }
0xbf: {  	[dreg:$0x0] =	wrdreg $0xFFFFFFFF;
	(pc) =	sbr.abs _section_cstart, $3  }
0xc0: {  	[dreg:$0x1] =	wrdreg $0xFFFFFFFF  }
0xc1: {  	_ =	task.clear_ibuf [dreg:s7], $0x2FFFF;
	_ =	strace $0x9FFFFFFF  }
0xc2: {  	(tm) =	ssettm $0x7FFFFFFF  }
0xc3: {  	_ =	shalt  }
tec
execute0_lowered:
.L_overlay_start_1:
0x0: {  	(tag) =	ssettag $0x1  }
0x1: {  	s1 =	rddreg [dreg:$0x0]  }
0x2: {  	s0 =	rddreg [dreg:$0x1];
	s14 =	stileid.u32  }
0x3: {  	s3 =	simm.s32 $0x0;
	s2 =	srdreg.scid;
	s18 =	smul.u32 $0x9C400, s14  }
0x4: {  	s30 =	simm.s32 $0x14200;
	s31 =	simm.s32 $0x14A00;
	s19 =	smul.u32 $0x4E20, s14  }
0x5: {  	[smem:$0x7FF] =	sst s3;
	s2 =	sand.u32 $0x1, s2;
	s22 =	smul.u32 $0x4E200, s14  }
0x6: {  	s4 =	sshll.u32 s14, $0x1;
	s5 =	sadd.s32 $0x3E00, s0;
	s13 =	smul.u32 $0x2710, s2  }
0x7: {  	s8 =	sadd.s32 $0x8CE00, s0;
	_ =	strace $0x80000047;
	s21 =	smul.u32 $0x4E200, s2  }
0x8: {  	s6 =	sor.u32 s2, s4;
	s9 =	ssub.s32 $0x2, s2;
	s2 =	smul.u32 $0x27100, s2  }
0x9: {  	s4 =	sadd.s32 $0x17A00, s0;
	s7 =	smul.u32 $0x2710, s6;
	s6 =	sadd.s32 $0xDC00, s0  }
0xa: {  	s0 =	sadd.s32 $0x56EE00, s0;
	s10 =	sshrl.u32 s9, $0x1;
	s24 =	sadd.s32 s22, s8  }
0xb: {  	s22 =	simm.s32 $0x4100;
	s9 =	ssub.s32 s9, s10;
	s11 =	sshrl.u32 s7, $0x3  }
0xc: {  	s7 =	sadd.s32 $0x2700, s7;
	s9 =	smax.u32 s9, $0x1;
	s15 =	sadd.s32 s5, s11  }
0xd: {  	s16 =	sadd.s32 s6, s11;
	s17 =	sshrl.u32 s7, $0x3;
	[dreg:$0x9] =	wrdreg s9  }
0xe: {  	s20 =	sshll.u32 s7, $0x4;
	s7 =	sshll.u32 s7, $0x5;
	[dreg:$0x3] =	wrdreg s15  }
0xf: {  	s9 =	simm.s32 $0x17200;
	s11 =	simm.s32 $0x3;
	[dreg:$0x4] =	wrdreg s16  }
0x10: {  	s12 =	sadd.s32 s5, s17;
	s10 =	sadd.s32 s6, s17;
	s7 =	sadd.s32 s0, s7  }
0x11: {  	s0 =	sadd.s32 s18, s0;
	s15 =	simm.s32 $0xC180;
	[dreg:$0x5] =	wrdreg s12  }
0x12: {  	s16 =	simm.s32 $0xC200;
	s17 =	simm.s32 $0x10200;
	[dreg:$0x6] =	wrdreg s10  }
0x13: {  	s12 =	sadd.s32 s8, s20;
	[dreg:$0x8] =	wrdreg s7;
	s10 =	sadd.s32 s13, s19  }
0x14: {  	s14 =	sadd.s32 s21, s0;
	s0 =	sadd.s32 s2, s24;
	s19 =	simm.s32 $0x6  }
0x15: {  	s20 =	simm.s32 $0x80;
	s21 =	simm.s32 $0x100;
	s2 =	simm.s32 $0x15A00  }
0x16: {  	s7 =	simm.s32 $0x16200;
	s8 =	simm.s32 $0x16A00;
	s13 =	simm.s32 $0x2  }
.Ltmp0:
0x17: {  	[dreg:$0x7] =	wrdreg s12;
	s23 =	sadd.s32 $0x80, s10;
	(pc) =	sbr.rel .LBB2_1-.Ltmp0, $4  }
0x18: {  	[dreg:$0xa] =	wrdreg s0;
	s26 =	sadd.s32 $0x100, s10;
	s25 =	sshrl.u32 s23, $0x3  }
0x19: {  	v2 =	vlaneseq.u32;
	s12 =	simm.s32 $0x1;
	[dreg:$0xb] =	wrdreg s26;
	s28 =	sadd.s32 s25, s6  }
0x1a: {  	vm0 =	vmmov $0xffff;
	v1 =	vshrl.u32 v2, $0x3;
	s0 =	simm.s32 $0x15200;
	s29 =	sadd.s32 s25, s5;
	[dreg:$0xc] =	wrdreg s28  }
0x1b: {  	v0 =	vand.u32 $0x7, v2;
	v2 =	vor.u32 $0x8, v2;
	v1 =	vmul.u32 $0x8, v1;
	s10 =	simm.s32 $0x17A00;
	s23 =	simm.s32 $0x0;
	[dreg:$0xd] =	wrdreg s29  }
.LBB2_4:
0x1c: {  	s18 =	simm.s32 $0x4  }
0x1d: {  	_ =	swait.ge [sflag:s18], $0x4000  }
0x1e: {  	[sflag:s18] =	ssyncset.done $0x0  }
0x1f: {  	[sflag:s18] =	ssyncadd.s32 $0xFFFFC000  }
0x20: {  	_ =	swait.ge [sflag:s18], $0x8000  }
0x21: {  	[sflag:s18] =	ssyncset.done $0x0  }
0x22: {  	s23 =	simm.s32 $0x18200;
	s29 =	rddreg [dreg:$0x5];
	[sflag:s18] =	ssyncadd.s32 $0xFFFF8000  }
0x23: {  	[tilespmem:s23], [sflag:$0x6] =	stream.linear.gather [hbm4b:s29+s3], $0x10, $0x38;
	[tilespmem:$0x19B00] =	vst v63  }
0x24: {  	_ =	swait.ge [sflag:s19], $0x10  }
0x25: {  	[sflag:s19] =	ssyncset.done $0x0  }
0x26: {  	s25 =	simm.s32 $0x18280;
	s24 =	rddreg [dreg:$0x6];
	[sflag:s19] =	ssyncadd.s32 $0xFFFFFFF0  }
0x27: {  	[tilespmem:s25], [sflag:$0x6] =	stream.linear.gather [hbm4b:s24+s3], $0x10, $0x38;
	[tilespmem:$0x19B00] =	vst v63  }
0x28: {  	_ =	swait.ge [sflag:s19], $0x10  }
0x29: {  	[sflag:s19] =	ssyncset.done $0x0  }
0x2a: {  	s26 =	simm.s32 $0x10;
	s24 =	simm.s32 $0x18300;
	[sflag:s19] =	ssyncadd.s32 $0xFFFFFFF0  }
0x2b: {  	[tilespmem:s24], [sflag:$0x5] =	stream.indirect.gather [hbm4b:s1+s26], $0x80, s25, s26, $0xb8;
	[tilespmem:$0x19B00] =	vst v63  }
0x2c: {  	v3 =	vld [tilespmem:$0x18200];
	_ =	sdelay $0x4  }
0x2d: {  	v4 =	vshll.u32 v3, $0x1  }
0x2e: {  	v3 =	vand.u32 $0x7, v3;
	v4 =	vand.u32 $0xFFFFFFF0, v4  }
0x2f: {  	v3 =	vor.u32 v3, v4  }
0x30: {  	v4 =	vperm.xlane v3, v0;
	_ =	sdelay $0x1  }
0x31: {  	v3 =	vperm.xlane v3, v2;
	v4 =	vadd.s32 v1, v4;
	_ =	sdelay $0x1  }
0x32: {  	v3 =	vadd.s32 v1, v3;
	_ =	sdelay $0x1  }
0x33: {  	s23 =	simm.s32 $0x18B00  }
0x34: {  	[tilespmem:s23], [sflag:$0x5] =	stream.indirect_vreg.gather [hbm4b:s4+s3], $0x80, v4, vm0, $0xb8;
	[tilespmem:$0x19B00] =	vst v63  }
0x35: {  	s28 =	simm.s32 $0x19300;
	s29 =	simm.s32 $0x5  }
0x36: {  	[tilespmem:s28], [sflag:$0x5] =	stream.indirect_vreg.gather [hbm4b:s4+s3], $0x80, v3, vm0, $0xb8;
	[tilespmem:$0x19B00] =	vst v63  }
0x37: {  	_ =	swait.ge [sflag:s29], $0x800  }
0x38: {  	[sflag:s29] =	ssyncset.done $0x0  }
0x39: {  	[sflag:s29] =	ssyncadd.s32 $0xFFFFF800  }
0x3a: {  	_ =	swait.ge [sflag:s29], $0x1000  }
0x3b: {  	[sflag:s29] =	ssyncset.done $0x0  }
0x3c: {  	s25 =	rddreg [dreg:$0x7];
	[sflag:s29] =	ssyncadd.s32 $0xFFFFF000  }
0x3d: {  	[hbm4b:s25+s3] =	stream.linear.scatter [tilespmem:s24], [sflag:$0x6], $0x800, $0x38;
	[tilespmem:$0x19B00] =	vst v63  }
0x3e: {  	_ =	swait.ge [sflag:s19], $0x800  }
0x3f: {  	[sflag:s19] =	ssyncset.done $0x0  }
0x40: {  	s26 =	rddreg [dreg:$0x8];
	[sflag:s19] =	ssyncadd.s32 $0xFFFFF800  }
0x41: {  	[hbm4b:s26+s3] =	stream.linear.scatter [tilespmem:s23], [sflag:$0x6], $0x1000, $0x38;
	[tilespmem:$0x19B00] =	vst v63  }
0x42: {  	_ =	swait.ge [sflag:s19], $0x1000  }
0x43: {  	s28 =	rddreg [dreg:$0xe]  }
0x44: {  	s29 =	rddreg [dreg:$0x9];
	s23 =	sadd.s32 $0x1, s28  }
0x45: {  	p0 =	sne.s32 s23, s29  }
.Ltmp1:
0x46: {  	_ = 	snop;
	(pc) =	sbr.rel @!p0 .LBB2_5-.Ltmp1, $3  }
0x47: {  	_ =	sdelay $0x1  }
0x48: {  	[sflag:s19] =	ssyncset.done $0x0  }
0x49: {  	[sflag:s19] =	ssyncadd.s32 $0xFFFFF000  }
.LBB2_1:
0x4a: {  	[dreg:$0xe] =	wrdreg s23  }
0x4b: {  	s18 =	rddreg [dreg:$0x3]  }
0x4c: {  	[tilespmem:s3], [sflag:$0x6] =	stream.linear.gather [hbm4b:s18+s3], $0x80, $0x38;
	[tilespmem:$0x19B00] =	vst v63  }
0x4d: {  	_ =	swait.ge [sflag:s19], $0x80  }
0x4e: {  	[sflag:s19] =	ssyncset.done $0x0  }
0x4f: {  	s25 =	rddreg [dreg:$0x4];
	[sflag:s19] =	ssyncadd.s32 $0xFFFFFF80  }
0x50: {  	[tilespmem:s20], [sflag:$0x6] =	stream.linear.gather [hbm4b:s25+s3], $0x80, $0x38;
	[tilespmem:$0x19B00] =	vst v63  }
0x51: {  	_ =	swait.ge [sflag:s19], $0x80  }
0x52: {  	[sflag:s19] =	ssyncset.done $0x0  }
0x53: {  	[sflag:s19] =	ssyncadd.s32 $0xFFFFFF80  }
0x54: {  	[tilespmem:s21], [sflag:$0x1] =	stream.indirect.gather [hbm4b:s1+s20], $0x80, s20, s20, $0xb8;
	[tilespmem:$0x19B00] =	vst v63  }
0x55: {  	v3 =	vld [tilespmem:$0x0];
	_ =	sdelay $0x4  }
0x56: {  	v4 =	vshll.u32 v3, $0x1  }
0x57: {  	v3 =	vand.u32 $0x7, v3;
	v4 =	vand.u32 $0xFFFFFFF0, v4  }
0x58: {  	v3 =	vor.u32 v3, v4  }
0x59: {  	v4 =	vperm.xlane v3, v0;
	_ =	sdelay $0x1  }
0x5a: {  	v3 =	vperm.xlane v3, v2;
	v4 =	vadd.s32 v1, v4;
	_ =	sdelay $0x1  }
0x5b: {  	v3 =	vadd.s32 v1, v3;
	_ =	sdelay $0x2  }
0x5c: {  	[tilespmem:s22], [sflag:$0x1] =	stream.indirect_vreg.gather [hbm4b:s4+s3], $0x80, v4, vm0, $0xb8;
	[tilespmem:$0x19B00] =	vst v63  }
0x5d: {  	s26 =	simm.s32 $0x4900  }
0x5e: {  	[tilespmem:s26], [sflag:$0x1] =	stream.indirect_vreg.gather [hbm4b:s4+s3], $0x80, v3, vm0, $0xb8;
	[tilespmem:$0x19B00] =	vst v63  }
0x5f: {  	v3 =	vld [tilespmem:$0x10];
	_ =	sdelay $0x4  }
0x60: {  	v57 =	vshll.u32 v3, $0x1  }
0x61: {  	v3 =	vand.u32 $0x7, v3;
	v4 =	vand.u32 $0xFFFFFFF0, v57  }
0x62: {  	v3 =	vor.u32 v3, v4  }
0x63: {  	v4 =	vperm.xlane v3, v0;
	_ =	sdelay $0x1  }
0x64: {  	v3 =	vperm.xlane v3, v2;
	v4 =	vadd.s32 v1, v4;
	_ =	sdelay $0x1  }
0x65: {  	v3 =	vadd.s32 v1, v3;
	_ =	sdelay $0x1  }
0x66: {  	s28 =	simm.s32 $0x5100  }
0x67: {  	[tilespmem:s28], [sflag:$0x1] =	stream.indirect_vreg.gather [hbm4b:s4+s3], $0x80, v4, vm0, $0xb8;
	[tilespmem:$0x19B00] =	vst v63  }
0x68: {  	s29 =	simm.s32 $0x5900  }
0x69: {  	[tilespmem:s29], [sflag:$0x1] =	stream.indirect_vreg.gather [hbm4b:s4+s3], $0x80, v3, vm0, $0xb8;
	[tilespmem:$0x19B00] =	vst v63  }
0x6a: {  	v3 =	vld [tilespmem:$0x20];
	_ =	sdelay $0x4  }
0x6b: {  	v58 =	vshll.u32 v3, $0x1  }
0x6c: {  	v3 =	vand.u32 $0x7, v3;
	v4 =	vand.u32 $0xFFFFFFF0, v58  }
0x6d: {  	v3 =	vor.u32 v3, v4  }
0x6e: {  	v4 =	vperm.xlane v3, v0;
	_ =	sdelay $0x1  }
0x6f: {  	v3 =	vperm.xlane v3, v2;
	v4 =	vadd.s32 v1, v4;
	_ =	sdelay $0x1  }
0x70: {  	v3 =	vadd.s32 v1, v3;
	_ =	sdelay $0x1  }
0x71: {  	s23 =	simm.s32 $0x6100  }
0x72: {  	[tilespmem:s23], [sflag:$0x1] =	stream.indirect_vreg.gather [hbm4b:s4+s3], $0x80, v4, vm0, $0xb8;
	[tilespmem:$0x19B00] =	vst v63  }
0x73: {  	s24 =	simm.s32 $0x6900  }
0x74: {  	[tilespmem:s24], [sflag:$0x1] =	stream.indirect_vreg.gather [hbm4b:s4+s3], $0x80, v3, vm0, $0xb8;
	[tilespmem:$0x19B00] =	vst v63  }
0x75: {  	v3 =	vld [tilespmem:$0x30];
	_ =	sdelay $0x4  }
0x76: {  	v59 =	vshll.u32 v3, $0x1  }
0x77: {  	v3 =	vand.u32 $0x7, v3;
	v4 =	vand.u32 $0xFFFFFFF0, v59  }
0x78: {  	v3 =	vor.u32 v3, v4  }
0x79: {  	v4 =	vperm.xlane v3, v0;
	_ =	sdelay $0x1  }
0x7a: {  	v3 =	vperm.xlane v3, v2;
	v4 =	vadd.s32 v1, v4;
	_ =	sdelay $0x1  }
0x7b: {  	v3 =	vadd.s32 v1, v3;
	_ =	sdelay $0x1  }
0x7c: {  	s25 =	simm.s32 $0x7100  }
0x7d: {  	[tilespmem:s25], [sflag:$0x1] =	stream.indirect_vreg.gather [hbm4b:s4+s3], $0x80, v4, vm0, $0xb8;
	[tilespmem:$0x19B00] =	vst v63  }
0x7e: {  	s26 =	simm.s32 $0x7900  }
0x7f: {  	[tilespmem:s26], [sflag:$0x1] =	stream.indirect_vreg.gather [hbm4b:s4+s3], $0x80, v3, vm0, $0xb8;
	[tilespmem:$0x19B00] =	vst v63  }
0x80: {  	v3 =	vld [tilespmem:$0x40];
	_ =	sdelay $0x4  }
0x81: {  	v60 =	vshll.u32 v3, $0x1  }
0x82: {  	v3 =	vand.u32 $0x7, v3;
	v4 =	vand.u32 $0xFFFFFFF0, v60  }
0x83: {  	v3 =	vor.u32 v3, v4  }
0x84: {  	v4 =	vperm.xlane v3, v0;
	_ =	sdelay $0x1  }
0x85: {  	v3 =	vperm.xlane v3, v2;
	v4 =	vadd.s32 v1, v4;
	_ =	sdelay $0x1  }
0x86: {  	v3 =	vadd.s32 v1, v3;
	_ =	sdelay $0x1  }
0x87: {  	s28 =	simm.s32 $0x8100  }
0x88: {  	[tilespmem:s28], [sflag:$0x1] =	stream.indirect_vreg.gather [hbm4b:s4+s3], $0x80, v4, vm0, $0xb8;
	[tilespmem:$0x19B00] =	vst v63  }
0x89: {  	s29 =	simm.s32 $0x8900  }
0x8a: {  	[tilespmem:s29], [sflag:$0x1] =	stream.indirect_vreg.gather [hbm4b:s4+s3], $0x80, v3, vm0, $0xb8;
	[tilespmem:$0x19B00] =	vst v63  }
0x8b: {  	v3 =	vld [tilespmem:$0x50];
	_ =	sdelay $0x4  }
0x8c: {  	v61 =	vshll.u32 v3, $0x1  }
0x8d: {  	v3 =	vand.u32 $0x7, v3;
	v4 =	vand.u32 $0xFFFFFFF0, v61  }
0x8e: {  	v3 =	vor.u32 v3, v4  }
0x8f: {  	v4 =	vperm.xlane v3, v0;
	_ =	sdelay $0x1  }
0x90: {  	v3 =	vperm.xlane v3, v2;
	v4 =	vadd.s32 v1, v4;
	_ =	sdelay $0x1  }
0x91: {  	v3 =	vadd.s32 v1, v3;
	_ =	sdelay $0x1  }
0x92: {  	s23 =	simm.s32 $0x9100  }
0x93: {  	[tilespmem:s23], [sflag:$0x1] =	stream.indirect_vreg.gather [hbm4b:s4+s3], $0x80, v4, vm0, $0xb8;
	[tilespmem:$0x19B00] =	vst v63  }
0x94: {  	s24 =	simm.s32 $0x9900  }
0x95: {  	[tilespmem:s24], [sflag:$0x1] =	stream.indirect_vreg.gather [hbm4b:s4+s3], $0x80, v3, vm0, $0xb8;
	[tilespmem:$0x19B00] =	vst v63  }
0x96: {  	v3 =	vld [tilespmem:$0x60];
	_ =	sdelay $0x4  }
0x97: {  	v62 =	vshll.u32 v3, $0x1  }
0x98: {  	v3 =	vand.u32 $0x7, v3;
	v4 =	vand.u32 $0xFFFFFFF0, v62  }
0x99: {  	v3 =	vor.u32 v3, v4  }
0x9a: {  	v4 =	vperm.xlane v3, v0;
	_ =	sdelay $0x1  }
0x9b: {  	v3 =	vperm.xlane v3, v2;
	v4 =	vadd.s32 v1, v4;
	_ =	sdelay $0x1  }
0x9c: {  	v3 =	vadd.s32 v1, v3;
	_ =	sdelay $0x1  }
0x9d: {  	s25 =	simm.s32 $0xA100  }
0x9e: {  	[tilespmem:s25], [sflag:$0x1] =	stream.indirect_vreg.gather [hbm4b:s4+s3], $0x80, v4, vm0, $0xb8;
	[tilespmem:$0x19B00] =	vst v63  }
0x9f: {  	s26 =	simm.s32 $0xA900  }
0xa0: {  	[tilespmem:s26], [sflag:$0x1] =	stream.indirect_vreg.gather [hbm4b:s4+s3], $0x80, v3, vm0, $0xb8;
	[tilespmem:$0x19B00] =	vst v63  }
0xa1: {  	v3 =	vld [tilespmem:$0x70];
	_ =	sdelay $0x4  }
0xa2: {  	v63 =	vshll.u32 v3, $0x1  }
0xa3: {  	v3 =	vand.u32 $0x7, v3;
	v4 =	vand.u32 $0xFFFFFFF0, v63  }
0xa4: {  	v3 =	vor.u32 v3, v4  }
0xa5: {  	v4 =	vperm.xlane v3, v0;
	_ =	sdelay $0x1  }
0xa6: {  	v3 =	vperm.xlane v3, v2;
	v4 =	vadd.s32 v1, v4;
	_ =	sdelay $0x1  }
0xa7: {  	s18 =	rddreg [dreg:$0xd];
	v3 =	vadd.s32 v1, v3  }
0xa8: {  	s23 =	rddreg [dreg:$0xc]  }
0xa9: {  	s28 =	simm.s32 $0xB100;
	s24 =	rddreg [dreg:$0xb]  }
0xaa: {  	[tilespmem:s28], [sflag:$0x1] =	stream.indirect_vreg.gather [hbm4b:s4+s3], $0x80, v4, vm0, $0xb8;
	[tilespmem:$0x19B00] =	vst v63  }
0xab: {  	s29 =	simm.s32 $0xB900;
	s25 =	rddreg [dreg:$0xa];
	s26 =	simm.s32 $0x0  }
0xac: {  	[tilespmem:s29], [sflag:$0x1] =	stream.indirect_vreg.gather [hbm4b:s4+s3], $0x80, v3, vm0, $0xb8;
	[tilespmem:$0x19B00] =	vst v63  }
.LBB2_2:
0xad: {  	_ =	swait.ge [sflag:s12], $0x4000  }
0xae: {  	[sflag:s12] =	ssyncset.done $0x0  }
0xaf: {  	[sflag:s12] =	ssyncadd.s32 $0xFFFFC000  }
0xb0: {  	_ =	swait.ge [sflag:s12], $0x8000  }
0xb1: {  	[sflag:s12] =	ssyncset.done $0x0  }
0xb2: {  	p0 =	seq.s32 s26, $0x0;
	[sflag:s12] =	ssyncadd.s32 $0xFFFF8000  }
0xb3: {  	[hbm4b:s25+s3] =	stream.linear.scatter [tilespmem:s21], [sflag:$0x2], $0x4000, $0x38;
	[tilespmem:$0x19B00] =	vst v63  }
0xb4: {  	s28 =	sadd.s32 s26, s14;
	s29 =	simm.s32 @!p0 $0x4  }
0xb5: {  	[hbm4b:s28+s3] =	stream.linear.scatter [tilespmem:s22], [sflag:$0x2], $0x8000, $0x38;
	[tilespmem:$0x19B00] =	vst v63  }
0xb6: {  	_ =	swait.ge @!p0 [sflag:s29], $0x4000  }
0xb7: {  	[sflag:s29] =	ssyncset.done @!p0 $0x0  }
0xb8: {  	[sflag:s29] =	ssyncadd.s32 @!p0 $0xFFFFC000  }
0xb9: {  	_ =	swait.ge @!p0 [sflag:s29], $0x8000  }
0xba: {  	[sflag:s29] =	ssyncset.done @!p0 $0x0  }
0xbb: {  	[sflag:s29] =	ssyncadd.s32 @!p0 $0xFFFF8000;
	s29 =	simm.s32 $0xC100  }
0xbc: {  	[tilespmem:s29], [sflag:$0x6] =	stream.linear.gather [hbm4b:s18+s3], $0x80, $0x38;
	[tilespmem:$0x19B00] =	vst v63  }
0xbd: {  	_ =	swait.ge [sflag:s19], $0x80  }
0xbe: {  	[sflag:s19] =	ssyncset.done $0x0  }
0xbf: {  	[sflag:s19] =	ssyncadd.s32 $0xFFFFFF80  }
0xc0: {  	[tilespmem:s15], [sflag:$0x6] =	stream.linear.gather [hbm4b:s23+s3], $0x80, $0x38;
	[tilespmem:$0x19B00] =	vst v63  }
0xc1: {  	_ =	swait.ge [sflag:s19], $0x80  }
0xc2: {  	[sflag:s19] =	ssyncset.done $0x0  }
0xc3: {  	[sflag:s19] =	ssyncadd.s32 $0xFFFFFF80  }
0xc4: {  	[tilespmem:s16], [sflag:$0x3] =	stream.indirect.gather [hbm4b:s1+s20], $0x80, s15, s20, $0xb8;
	[tilespmem:$0x19B00] =	vst v63  }
0xc5: {  	v3 =	vld [tilespmem:$0xC100];
	_ =	sdelay $0x4  }
0xc6: {  	v4 =	vshll.u32 v3, $0x1  }
0xc7: {  	v3 =	vand.u32 $0x7, v3;
	v4 =	vand.u32 $0xFFFFFFF0, v4  }
0xc8: {  	v3 =	vor.u32 v3, v4  }
0xc9: {  	v4 =	vperm.xlane v3, v0;
	_ =	sdelay $0x1  }
0xca: {  	v3 =	vperm.xlane v3, v2;
	v4 =	vadd.s32 v1, v4;
	_ =	sdelay $0x1  }
0xcb: {  	v3 =	vadd.s32 v1, v3;
	_ =	sdelay $0x2  }
0xcc: {  	[tilespmem:s17], [sflag:$0x3] =	stream.indirect_vreg.gather [hbm4b:s4+s3], $0x80, v4, vm0, $0xb8;
	[tilespmem:$0x19B00] =	vst v63  }
0xcd: {  	s29 =	simm.s32 $0x10A00  }
0xce: {  	[tilespmem:s29], [sflag:$0x3] =	stream.indirect_vreg.gather [hbm4b:s4+s3], $0x80, v3, vm0, $0xb8;
	[tilespmem:$0x19B00] =	vst v63  }
0xcf: {  	v3 =	vld [tilespmem:$0xC110];
	_ =	sdelay $0x4  }
0xd0: {  	v57 =	vshll.u32 v3, $0x1  }
0xd1: {  	v3 =	vand.u32 $0x7, v3;
	v4 =	vand.u32 $0xFFFFFFF0, v57  }
0xd2: {  	v3 =	vor.u32 v3, v4  }
0xd3: {  	v4 =	vperm.xlane v3, v0;
	_ =	sdelay $0x1  }
0xd4: {  	v3 =	vperm.xlane v3, v2;
	v4 =	vadd.s32 v1, v4;
	_ =	sdelay $0x1  }
0xd5: {  	v3 =	vadd.s32 v1, v3;
	_ =	sdelay $0x1  }
0xd6: {  	s29 =	simm.s32 $0x11200  }
0xd7: {  	[tilespmem:s29], [sflag:$0x3] =	stream.indirect_vreg.gather [hbm4b:s4+s3], $0x80, v4, vm0, $0xb8;
	[tilespmem:$0x19B00] =	vst v63  }
0xd8: {  	s29 =	simm.s32 $0x11A00  }
0xd9: {  	[tilespmem:s29], [sflag:$0x3] =	stream.indirect_vreg.gather [hbm4b:s4+s3], $0x80, v3, vm0, $0xb8;
	[tilespmem:$0x19B00] =	vst v63  }
0xda: {  	v3 =	vld [tilespmem:$0xC120];
	_ =	sdelay $0x4  }
0xdb: {  	v58 =	vshll.u32 v3, $0x1  }
0xdc: {  	v3 =	vand.u32 $0x7, v3;
	v4 =	vand.u32 $0xFFFFFFF0, v58  }
0xdd: {  	v3 =	vor.u32 v3, v4  }
0xde: {  	v4 =	vperm.xlane v3, v0;
	_ =	sdelay $0x1  }
0xdf: {  	v3 =	vperm.xlane v3, v2;
	v4 =	vadd.s32 v1, v4;
	_ =	sdelay $0x1  }
0xe0: {  	v3 =	vadd.s32 v1, v3;
	_ =	sdelay $0x1  }
0xe1: {  	s29 =	simm.s32 $0x12200  }
0xe2: {  	[tilespmem:s29], [sflag:$0x3] =	stream.indirect_vreg.gather [hbm4b:s4+s3], $0x80, v4, vm0, $0xb8;
	[tilespmem:$0x19B00] =	vst v63  }
0xe3: {  	s29 =	simm.s32 $0x12A00  }
0xe4: {  	[tilespmem:s29], [sflag:$0x3] =	stream.indirect_vreg.gather [hbm4b:s4+s3], $0x80, v3, vm0, $0xb8;
	[tilespmem:$0x19B00] =	vst v63  }
0xe5: {  	v3 =	vld [tilespmem:$0xC130];
	_ =	sdelay $0x4  }
0xe6: {  	v59 =	vshll.u32 v3, $0x1  }
0xe7: {  	v3 =	vand.u32 $0x7, v3;
	v4 =	vand.u32 $0xFFFFFFF0, v59  }
0xe8: {  	v3 =	vor.u32 v3, v4  }
0xe9: {  	v4 =	vperm.xlane v3, v0;
	_ =	sdelay $0x1  }
0xea: {  	v3 =	vperm.xlane v3, v2;
	v4 =	vadd.s32 v1, v4;
	_ =	sdelay $0x1  }
0xeb: {  	v3 =	vadd.s32 v1, v3;
	_ =	sdelay $0x1  }
0xec: {  	s29 =	simm.s32 $0x13200  }
0xed: {  	[tilespmem:s29], [sflag:$0x3] =	stream.indirect_vreg.gather [hbm4b:s4+s3], $0x80, v4, vm0, $0xb8;
	[tilespmem:$0x19B00] =	vst v63  }
0xee: {  	s29 =	simm.s32 $0x13A00  }
0xef: {  	[tilespmem:s29], [sflag:$0x3] =	stream.indirect_vreg.gather [hbm4b:s4+s3], $0x80, v3, vm0, $0xb8;
	[tilespmem:$0x19B00] =	vst v63  }
0xf0: {  	v3 =	vld [tilespmem:$0xC140];
	_ =	sdelay $0x4  }
0xf1: {  	v60 =	vshll.u32 v3, $0x1  }
0xf2: {  	v3 =	vand.u32 $0x7, v3;
	v4 =	vand.u32 $0xFFFFFFF0, v60  }
0xf3: {  	v3 =	vor.u32 v3, v4  }
0xf4: {  	v4 =	vperm.xlane v3, v0;
	_ =	sdelay $0x1  }
0xf5: {  	v3 =	vperm.xlane v3, v2;
	v4 =	vadd.s32 v1, v4;
	_ =	sdelay $0x1  }
0xf6: {  	v3 =	vadd.s32 v1, v3;
	_ =	sdelay $0x2  }
0xf7: {  	[tilespmem:s30], [sflag:$0x3] =	stream.indirect_vreg.gather [hbm4b:s4+s3], $0x80, v4, vm0, $0xb8;
	[tilespmem:$0x19B00] =	vst v63  }
0xf8: {  	_ = 	snop  }
0xf9: {  	[tilespmem:s31], [sflag:$0x3] =	stream.indirect_vreg.gather [hbm4b:s4+s3], $0x80, v3, vm0, $0xb8;
	[tilespmem:$0x19B00] =	vst v63  }
0xfa: {  	v3 =	vld [tilespmem:$0xC150];
	_ =	sdelay $0x4  }
0xfb: {  	v61 =	vshll.u32 v3, $0x1  }
0xfc: {  	v3 =	vand.u32 $0x7, v3;
	v4 =	vand.u32 $0xFFFFFFF0, v61  }
0xfd: {  	v3 =	vor.u32 v3, v4  }
0xfe: {  	v4 =	vperm.xlane v3, v0;
	_ =	sdelay $0x1  }
0xff: {  	v3 =	vperm.xlane v3, v2;
	v4 =	vadd.s32 v1, v4;
	_ =	sdelay $0x1  }
0x100: {  	v3 =	vadd.s32 v1, v3;
	_ =	sdelay $0x2  }
0x101: {  	[tilespmem:s0], [sflag:$0x3] =	stream.indirect_vreg.gather [hbm4b:s4+s3], $0x80, v4, vm0, $0xb8;
	[tilespmem:$0x19B00] =	vst v63  }
0x102: {  	_ = 	snop  }
0x103: {  	[tilespmem:s2], [sflag:$0x3] =	stream.indirect_vreg.gather [hbm4b:s4+s3], $0x80, v3, vm0, $0xb8;
	[tilespmem:$0x19B00] =	vst v63  }
0x104: {  	v3 =	vld [tilespmem:$0xC160];
	_ =	sdelay $0x4  }
0x105: {  	v62 =	vshll.u32 v3, $0x1  }
0x106: {  	v3 =	vand.u32 $0x7, v3;
	v4 =	vand.u32 $0xFFFFFFF0, v62  }
0x107: {  	v3 =	vor.u32 v3, v4  }
0x108: {  	v4 =	vperm.xlane v3, v0;
	_ =	sdelay $0x1  }
0x109: {  	v3 =	vperm.xlane v3, v2;
	v4 =	vadd.s32 v1, v4;
	_ =	sdelay $0x1  }
0x10a: {  	v3 =	vadd.s32 v1, v3;
	_ =	sdelay $0x2  }
0x10b: {  	[tilespmem:s7], [sflag:$0x3] =	stream.indirect_vreg.gather [hbm4b:s4+s3], $0x80, v4, vm0, $0xb8;
	[tilespmem:$0x19B00] =	vst v63  }
0x10c: {  	_ = 	snop  }
0x10d: {  	[tilespmem:s8], [sflag:$0x3] =	stream.indirect_vreg.gather [hbm4b:s4+s3], $0x80, v3, vm0, $0xb8;
	[tilespmem:$0x19B00] =	vst v63  }
0x10e: {  	v3 =	vld [tilespmem:$0xC170];
	_ =	sdelay $0x4  }
0x10f: {  	v63 =	vshll.u32 v3, $0x1  }
0x110: {  	v3 =	vand.u32 $0x7, v3;
	v4 =	vand.u32 $0xFFFFFFF0, v63  }
0x111: {  	v3 =	vor.u32 v3, v4  }
0x112: {  	v4 =	vperm.xlane v3, v0;
	_ =	sdelay $0x1  }
0x113: {  	v3 =	vperm.xlane v3, v2;
	v4 =	vadd.s32 v1, v4;
	_ =	sdelay $0x1  }
0x114: {  	v3 =	vadd.s32 v1, v3;
	_ =	sdelay $0x2  }
0x115: {  	[tilespmem:s9], [sflag:$0x3] =	stream.indirect_vreg.gather [hbm4b:s4+s3], $0x80, v4, vm0, $0xb8;
	[tilespmem:$0x19B00] =	vst v63  }
0x116: {  	_ = 	snop  }
0x117: {  	[tilespmem:s10], [sflag:$0x3] =	stream.indirect_vreg.gather [hbm4b:s4+s3], $0x80, v3, vm0, $0xb8;
	[tilespmem:$0x19B00] =	vst v63  }
0x118: {  	_ =	swait.ge [sflag:s11], $0x4000  }
0x119: {  	[sflag:s11] =	ssyncset.done $0x0  }
0x11a: {  	[sflag:s11] =	ssyncadd.s32 $0xFFFFC000  }
0x11b: {  	_ =	swait.ge [sflag:s11], $0x8000  }
0x11c: {  	[sflag:s11] =	ssyncset.done $0x0  }
0x11d: {  	s29 =	sadd.s32 $0x800, s25;
	[sflag:s11] =	ssyncadd.s32 $0xFFFF8000  }
0x11e: {  	[hbm4b:s29+s3] =	stream.linear.scatter [tilespmem:s16], [sflag:$0x4], $0x4000, $0x38;
	[tilespmem:$0x19B00] =	vst v63  }
0x11f: {  	s28 =	sadd.s32 $0x1000, s28  }
0x120: {  	[hbm4b:s28+s3] =	stream.linear.scatter [tilespmem:s17], [sflag:$0x4], $0x8000, $0x38;
	[tilespmem:$0x19B00] =	vst v63  }
0x121: {  	p0 =	seq.s32 s26, $0x4C000;
	_ =	swait.ge [sflag:s13], $0x4000  }
.Ltmp2:
0x122: {  	[sflag:s13] =	ssyncset.done $0x0;
	(pc) =	sbr.rel @p0 .LBB2_4-.Ltmp2, $4  }
0x123: {  	[sflag:s13] =	ssyncadd.s32 $0xFFFFC000  }
0x124: {  	_ =	swait.ge [sflag:s13], $0x8000  }
0x125: {  	[sflag:s13] =	ssyncset.done $0x0  }
0x126: {  	[sflag:s13] =	ssyncadd.s32 $0xFFFF8000  }
0x127: {  	s28 =	sshrl.u32 s24, $0x3  }
0x128: {  	s29 =	sadd.s32 s5, s28  }
0x129: {  	[tilespmem:s3], [sflag:$0x6] =	stream.linear.gather [hbm4b:s29+s3], $0x80, $0x38;
	[tilespmem:$0x19B00] =	vst v63  }
0x12a: {  	_ =	swait.ge [sflag:s19], $0x80  }
0x12b: {  	[sflag:s19] =	ssyncset.done $0x0  }
0x12c: {  	s28 =	sadd.s32 s6, s28;
	[sflag:s19] =	ssyncadd.s32 $0xFFFFFF80  }
0x12d: {  	[tilespmem:s20], [sflag:$0x6] =	stream.linear.gather [hbm4b:s28+s3], $0x80, $0x38;
	[tilespmem:$0x19B00] =	vst v63  }
0x12e: {  	_ =	swait.ge [sflag:s19], $0x80  }
0x12f: {  	[sflag:s19] =	ssyncset.done $0x0  }
0x130: {  	[sflag:s19] =	ssyncadd.s32 $0xFFFFFF80  }
0x131: {  	[tilespmem:s21], [sflag:$0x1] =	stream.indirect.gather [hbm4b:s1+s20], $0x80, s20, s20, $0xb8;
	[tilespmem:$0x19B00] =	vst v63  }
0x132: {  	v3 =	vld [tilespmem:$0x0];
	_ =	sdelay $0x4  }
0x133: {  	v4 =	vshll.u32 v3, $0x1  }
0x134: {  	v3 =	vand.u32 $0x7, v3;
	v4 =	vand.u32 $0xFFFFFFF0, v4  }
0x135: {  	v3 =	vor.u32 v3, v4  }
0x136: {  	v4 =	vperm.xlane v3, v0;
	_ =	sdelay $0x1  }
0x137: {  	v3 =	vperm.xlane v3, v2;
	v4 =	vadd.s32 v1, v4;
	_ =	sdelay $0x1  }
0x138: {  	v3 =	vadd.s32 v1, v3;
	_ =	sdelay $0x2  }
0x139: {  	[tilespmem:s22], [sflag:$0x1] =	stream.indirect_vreg.gather [hbm4b:s4+s3], $0x80, v4, vm0, $0xb8;
	[tilespmem:$0x19B00] =	vst v63  }
0x13a: {  	s29 =	simm.s32 $0x4900  }
0x13b: {  	[tilespmem:s29], [sflag:$0x1] =	stream.indirect_vreg.gather [hbm4b:s4+s3], $0x80, v3, vm0, $0xb8;
	[tilespmem:$0x19B00] =	vst v63  }
0x13c: {  	v3 =	vld [tilespmem:$0x10];
	_ =	sdelay $0x4  }
0x13d: {  	v57 =	vshll.u32 v3, $0x1  }
0x13e: {  	v3 =	vand.u32 $0x7, v3;
	v4 =	vand.u32 $0xFFFFFFF0, v57  }
0x13f: {  	v3 =	vor.u32 v3, v4  }
0x140: {  	v4 =	vperm.xlane v3, v0;
	_ =	sdelay $0x1  }
0x141: {  	v3 =	vperm.xlane v3, v2;
	v4 =	vadd.s32 v1, v4;
	_ =	sdelay $0x1  }
0x142: {  	v3 =	vadd.s32 v1, v3;
	_ =	sdelay $0x1  }
0x143: {  	s29 =	simm.s32 $0x5100  }
0x144: {  	[tilespmem:s29], [sflag:$0x1] =	stream.indirect_vreg.gather [hbm4b:s4+s3], $0x80, v4, vm0, $0xb8;
	[tilespmem:$0x19B00] =	vst v63  }
0x145: {  	s29 =	simm.s32 $0x5900  }
0x146: {  	[tilespmem:s29], [sflag:$0x1] =	stream.indirect_vreg.gather [hbm4b:s4+s3], $0x80, v3, vm0, $0xb8;
	[tilespmem:$0x19B00] =	vst v63  }
0x147: {  	v3 =	vld [tilespmem:$0x20];
	_ =	sdelay $0x4  }
0x148: {  	v58 =	vshll.u32 v3, $0x1  }
0x149: {  	v3 =	vand.u32 $0x7, v3;
	v4 =	vand.u32 $0xFFFFFFF0, v58  }
0x14a: {  	v3 =	vor.u32 v3, v4  }
0x14b: {  	v4 =	vperm.xlane v3, v0;
	_ =	sdelay $0x1  }
0x14c: {  	v3 =	vperm.xlane v3, v2;
	v4 =	vadd.s32 v1, v4;
	_ =	sdelay $0x1  }
0x14d: {  	v3 =	vadd.s32 v1, v3;
	_ =	sdelay $0x1  }
0x14e: {  	s29 =	simm.s32 $0x6100  }
0x14f: {  	[tilespmem:s29], [sflag:$0x1] =	stream.indirect_vreg.gather [hbm4b:s4+s3], $0x80, v4, vm0, $0xb8;
	[tilespmem:$0x19B00] =	vst v63  }
0x150: {  	s29 =	simm.s32 $0x6900  }
0x151: {  	[tilespmem:s29], [sflag:$0x1] =	stream.indirect_vreg.gather [hbm4b:s4+s3], $0x80, v3, vm0, $0xb8;
	[tilespmem:$0x19B00] =	vst v63  }
0x152: {  	v3 =	vld [tilespmem:$0x30];
	_ =	sdelay $0x4  }
0x153: {  	v59 =	vshll.u32 v3, $0x1  }
0x154: {  	v3 =	vand.u32 $0x7, v3;
	v4 =	vand.u32 $0xFFFFFFF0, v59  }
0x155: {  	v3 =	vor.u32 v3, v4  }
0x156: {  	v4 =	vperm.xlane v3, v0;
	_ =	sdelay $0x1  }
0x157: {  	v3 =	vperm.xlane v3, v2;
	v4 =	vadd.s32 v1, v4;
	_ =	sdelay $0x1  }
0x158: {  	v3 =	vadd.s32 v1, v3;
	_ =	sdelay $0x1  }
0x159: {  	s29 =	simm.s32 $0x7100  }
0x15a: {  	[tilespmem:s29], [sflag:$0x1] =	stream.indirect_vreg.gather [hbm4b:s4+s3], $0x80, v4, vm0, $0xb8;
	[tilespmem:$0x19B00] =	vst v63  }
0x15b: {  	s29 =	simm.s32 $0x7900  }
0x15c: {  	[tilespmem:s29], [sflag:$0x1] =	stream.indirect_vreg.gather [hbm4b:s4+s3], $0x80, v3, vm0, $0xb8;
	[tilespmem:$0x19B00] =	vst v63  }
0x15d: {  	v3 =	vld [tilespmem:$0x40];
	_ =	sdelay $0x4  }
0x15e: {  	v60 =	vshll.u32 v3, $0x1  }
0x15f: {  	v3 =	vand.u32 $0x7, v3;
	v4 =	vand.u32 $0xFFFFFFF0, v60  }
0x160: {  	v3 =	vor.u32 v3, v4  }
0x161: {  	v4 =	vperm.xlane v3, v0;
	_ =	sdelay $0x1  }
0x162: {  	v3 =	vperm.xlane v3, v2;
	v4 =	vadd.s32 v1, v4;
	_ =	sdelay $0x1  }
0x163: {  	v3 =	vadd.s32 v1, v3;
	_ =	sdelay $0x1  }
0x164: {  	s29 =	simm.s32 $0x8100  }
0x165: {  	[tilespmem:s29], [sflag:$0x1] =	stream.indirect_vreg.gather [hbm4b:s4+s3], $0x80, v4, vm0, $0xb8;
	[tilespmem:$0x19B00] =	vst v63  }
0x166: {  	s29 =	simm.s32 $0x8900  }
0x167: {  	[tilespmem:s29], [sflag:$0x1] =	stream.indirect_vreg.gather [hbm4b:s4+s3], $0x80, v3, vm0, $0xb8;
	[tilespmem:$0x19B00] =	vst v63  }
0x168: {  	v3 =	vld [tilespmem:$0x50];
	_ =	sdelay $0x4  }
0x169: {  	v61 =	vshll.u32 v3, $0x1  }
0x16a: {  	v3 =	vand.u32 $0x7, v3;
	v4 =	vand.u32 $0xFFFFFFF0, v61  }
0x16b: {  	v3 =	vor.u32 v3, v4  }
0x16c: {  	v4 =	vperm.xlane v3, v0;
	_ =	sdelay $0x1  }
0x16d: {  	v3 =	vperm.xlane v3, v2;
	v4 =	vadd.s32 v1, v4;
	_ =	sdelay $0x1  }
0x16e: {  	v3 =	vadd.s32 v1, v3;
	_ =	sdelay $0x1  }
0x16f: {  	s29 =	simm.s32 $0x9100  }
0x170: {  	[tilespmem:s29], [sflag:$0x1] =	stream.indirect_vreg.gather [hbm4b:s4+s3], $0x80, v4, vm0, $0xb8;
	[tilespmem:$0x19B00] =	vst v63  }
0x171: {  	s29 =	simm.s32 $0x9900  }
0x172: {  	[tilespmem:s29], [sflag:$0x1] =	stream.indirect_vreg.gather [hbm4b:s4+s3], $0x80, v3, vm0, $0xb8;
	[tilespmem:$0x19B00] =	vst v63  }
0x173: {  	v3 =	vld [tilespmem:$0x60];
	_ =	sdelay $0x4  }
0x174: {  	v62 =	vshll.u32 v3, $0x1  }
0x175: {  	v3 =	vand.u32 $0x7, v3;
	v4 =	vand.u32 $0xFFFFFFF0, v62  }
0x176: {  	v3 =	vor.u32 v3, v4  }
0x177: {  	v4 =	vperm.xlane v3, v0;
	_ =	sdelay $0x1  }
0x178: {  	v3 =	vperm.xlane v3, v2;
	v4 =	vadd.s32 v1, v4;
	_ =	sdelay $0x1  }
0x179: {  	v3 =	vadd.s32 v1, v3;
	_ =	sdelay $0x1  }
0x17a: {  	s29 =	simm.s32 $0xA100  }
0x17b: {  	[tilespmem:s29], [sflag:$0x1] =	stream.indirect_vreg.gather [hbm4b:s4+s3], $0x80, v4, vm0, $0xb8;
	[tilespmem:$0x19B00] =	vst v63  }
0x17c: {  	s29 =	simm.s32 $0xA900  }
0x17d: {  	[tilespmem:s29], [sflag:$0x1] =	stream.indirect_vreg.gather [hbm4b:s4+s3], $0x80, v3, vm0, $0xb8;
	[tilespmem:$0x19B00] =	vst v63  }
0x17e: {  	v3 =	vld [tilespmem:$0x70];
	_ =	sdelay $0x4  }
0x17f: {  	v63 =	vshll.u32 v3, $0x1  }
0x180: {  	v3 =	vand.u32 $0x7, v3;
	v4 =	vand.u32 $0xFFFFFFF0, v63  }
0x181: {  	v3 =	vor.u32 v3, v4  }
0x182: {  	v4 =	vperm.xlane v3, v0;
	_ =	sdelay $0x1  }
0x183: {  	v3 =	vperm.xlane v3, v2;
	v4 =	vadd.s32 v1, v4;
	_ =	sdelay $0x1  }
0x184: {  	v3 =	vadd.s32 v1, v3  }
.Ltmp3:
0x185: {  	s26 =	sadd.s32 $0x2000, s26;
	(pc) =	sbr.rel .LBB2_2-.Ltmp3, $4  }
0x186: {  	s25 =	sadd.s32 $0x1000, s25;
	s24 =	sadd.s32 $0x100, s24;
	s29 =	simm.s32 $0xB100  }
0x187: {  	[tilespmem:s29], [sflag:$0x1] =	stream.indirect_vreg.gather [hbm4b:s4+s3], $0x80, v4, vm0, $0xb8;
	[tilespmem:$0x19B00] =	vst v63  }
0x188: {  	s23 =	sadd.s32 $0x20, s23;
	s18 =	sadd.s32 $0x20, s18;
	s29 =	simm.s32 $0xB900  }
0x189: {  	[tilespmem:s29], [sflag:$0x1] =	stream.indirect_vreg.gather [hbm4b:s4+s3], $0x80, v3, vm0, $0xb8;
	[tilespmem:$0x19B00] =	vst v63  }
.LBB2_5:
0x18a: {  	_ =	sfence.sel $0x180000  }
0x18b: {  	[bflag:$0x0] =	sbarrier.arrive $0xFFFF  }
0x18c: {  	_ =	strace $0x90000047  }
0x18d: {  	s0 =	stileid.u32;
	[bflag:$0x2] =	sbarrier.arrive $0xFFFF  }
0x18e: {  	p0 =	sne.s32 s0, $0x0;
	s0 =	rddreg [dreg:$0x2]  }
0x18f: {  	s0 =	sadd.s32 @!p0 $0x100000, s0  }
0x190: {  	[sflag:s0] =	ssyncadd.tile.s32 @!p0 $0x1;
	_ =	shalt  }
.Lfunc_end2:
_tile_overlayer_lowered:
.L_overlay_start_2:
0x191: {  	(tag) =	ssettag $0x2  }
0x192: {  	s0 =	rddreg [dreg:$0x0];
	s2 =	stileid.u32  }
0x193: {  	s1 =	rddreg [dreg:$0x1];
	p0 =	sne.s32 s2, $0x0  }
0x194: {  	s3 =	rddreg [dreg:$0x2];
	[bflag:$0x3] =	sbarrier.arrive $0xFFFF;
	s2 =	simm.s32 @!p0 $0x1C06  }
0x195: {  	[timem:s3], [sflag:s2] =	dma.local @!p0 [hbm:s0], s1  }
0x196: {  	s0 =	simm.s32 @!p0 $0x6  }
0x197: {  	_ =	swait.ge @!p0 [sflag:s0], s1  }
0x198: {  	s1 =	ssub.s32 @!p0 $0x0, s1;
	[sflag:s0] =	ssyncset.done @!p0 $0x0  }
0x199: {  	[sflag:s0] =	ssyncadd.s32 @!p0 s1  }
0x19a: {  	[bflag:$0x3] =	sbarrier.arrive $0xFFFF  }
0x19b: {  	_ =	shalt  }

</sc_bundles>
